<compile_context>
chip_gen: v7x
topology: tpu7x:2x2x1
jax: 0.10.2.dev20260603
libtpu: 0.0.44.dev20260713+nightly
codegen_flags: <defaults>
</compile_context>

<pallas_src>
import jax
import jax.numpy as jnp
from jax.experimental import pallas as pl
from jax.experimental.pallas import tpu as pltpu
from jax.experimental.pallas import tpu_sc as plsc

_BR = 16
_LANES = 16
_PAIR = 2


def kernel(x, pe_table):
    B, S, D = x.shape
    SB = S // _BR
    n_pairs = B // _PAIR
    x2 = x.reshape(B * S, D)
    mesh = plsc.VectorSubcoreMesh(core_axis_name="core", subcore_axis_name="subcore")

    def _x_map(j):
        return lambda i, g: ((_PAIR * g + j) * SB + i, 0)

    @pl.kernel(out_type=jax.ShapeDtypeStruct((B * S, D), x.dtype), mesh=mesh)
    def sc_kern(x_hbm, pe_hbm, o_hbm):
        def body(*refs):
            x_refs = refs[:_PAIR]
            pe_vmem = refs[_PAIR]
            o_refs = refs[_PAIR + 1:]

            @pl.loop(0, _BR)
            def _row(r):
                @plsc.parallel_loop(0, D, step=_LANES, unroll=4)
                def _col(c):
                    slc = (pl.ds(r, 1), pl.ds(c, _LANES))
                    pv = pe_vmem.at[slc][...]
                    for xb, ob in zip(x_refs, o_refs):
                        ob.at[slc][...] = xb.at[slc][...] + pv

        pltpu.emit_pipeline(
            body,
            grid=(SB, n_pairs),
            in_specs=[pl.BlockSpec((_BR, D), index_map=_x_map(j)) for j in range(_PAIR)]
            + [pl.BlockSpec((_BR, D), index_map=lambda i, g: (i, 0))],
            out_specs=[pl.BlockSpec((_BR, D), index_map=_x_map(j)) for j in range(_PAIR)],
            core_axis_name=("core", "subcore"),
            dimension_semantics=(pltpu.PARALLEL, pltpu.ARBITRARY),
        )(*([x_hbm] * _PAIR), pe_hbm, *([o_hbm] * _PAIR))

    return sc_kern(x2, pe_table).reshape(B, S, D)

# --- scband reference (transcript-rebuilt; emitter-appended) ---
"""Pipeline reference for scband-embedding-positional-encoding-29222957482368 (READ-ONLY COPY).

The authoritative reference and input builder live on the scoring server;
editing this copy changes nothing except your own understanding.
"""

import jax, jax.numpy as jnp
import numpy as np

MAX_LEN_SEQ = 8192
D_MODEL = 768

def setup_inputs(seed: int = 0) -> dict:
    key = jax.random.key(seed)
    k1, k2 = jax.random.split(key)
    x = jax.random.normal(k1, (4, MAX_LEN_SEQ, D_MODEL), dtype=jnp.float32)
    pe_table = jax.random.normal(k2, (MAX_LEN_SEQ, D_MODEL), dtype=jnp.float32) * 0.02
    return {"x": x, "pe_table": pe_table}

def reference(x, pe_table):
    # positions buffer: arange(max_len_seq)
    positions = jnp.arange(MAX_LEN_SEQ)
    # embedding lookup: pe(positions) -> [max_len_seq, d_model]
    positions_info = jnp.take(pe_table, positions, axis=0)
    # broadcast add over batch dim
    out = x + positions_info
    # dropout p=0.0 (eval / identity)
    return out

if __name__ == "__main__":
    import jax
    _d = setup_inputs()
    print(jax.jit(kernel)(*tuple(_d.values())))

</pallas_src>

<mosaic_0001>
#map = affine_map<(d0, d1) -> (0, 0)>
module attributes {stable_mosaic.version = 14 : i64} {
  func.func @sc_kern(%arg0: i32, %arg1: i32, %arg2: memref<32768x768xf32, #tpu.memory_space<hbm>>, %arg3: memref<8192x768xf32, #tpu.memory_space<hbm>>, %arg4: memref<32768x768xf32, #tpu.memory_space<hbm>>) attributes {dimension_semantics = [#tpu.dimension_semantics<core_parallel>, #tpu.dimension_semantics<subcore_parallel>], iteration_bounds = array<i64: 2, 16>, scalar_prefetch = 0 : i64, scratch_operands = 0 : i64, tpu.core_type = #tpu.core_type<sc_vector_subcore>, window_params = [{transform_indices = #map}, {transform_indices = #map}, {transform_indices = #map}]} {
    %mul3A = arith.constant 1 : i32
    %mul3A_0 = arith.muli %arg1, %mul3A : i32
    %add3A = arith.constant 0 : i32
    %add3A_1 = arith.addi %add3A, %mul3A_0 : i32
    %mul3A_2 = arith.constant 16 : i32
    %mul3A_3 = arith.muli %arg0, %mul3A_2 : i32
    %add3A_4 = arith.addi %add3A_1, %mul3A_3 : i32
    %mul3A_5 = arith.constant 16 : i32
    %mul3A_6 = arith.muli %add3A_4, %mul3A_5 : i32
    "tpu.region"() ({
      %run_scoped3A = memref.alloca() : memref<2x16x768xf32, #tpu.memory_space<vmem>>
      %run_scoped3A_7 = tpu.sem_alloc : memref<2x!tpu.dma_semaphore, #tpu.memory_space<semaphore_mem>>
      %run_scoped3A_8 = memref.alloca() : memref<2x16x768xf32, #tpu.memory_space<vmem>>
      %run_scoped3A_9 = tpu.sem_alloc : memref<2x!tpu.dma_semaphore, #tpu.memory_space<semaphore_mem>>
      %run_scoped3A_10 = memref.alloca() : memref<2x16x768xf32, #tpu.memory_space<vmem>>
      %run_scoped3A_11 = tpu.sem_alloc : memref<2x!tpu.dma_semaphore, #tpu.memory_space<semaphore_mem>>
      %run_scoped3A_12 = memref.alloca() : memref<2x16x768xf32, #tpu.memory_space<vmem>>
      %run_scoped3A_13 = tpu.sem_alloc : memref<2x!tpu.dma_semaphore, #tpu.memory_space<semaphore_mem>>
      %run_scoped3A_14 = memref.alloca() : memref<2x16x768xf32, #tpu.memory_space<vmem>>
      %run_scoped3A_15 = tpu.sem_alloc : memref<2x!tpu.dma_semaphore, #tpu.memory_space<semaphore_mem>>
      %add3A_16 = arith.constant 0 : i32
      %add3A_17 = arith.addi %add3A_16, %mul3A_6 : i32
      %select_n3A = arith.constant true
      %select_n3A_18 = arith.constant 0 : i32
      %select_n3A_19 = arith.constant -1 : i32
      %select_n3A_20 = arith.select %select_n3A, %select_n3A_19, %select_n3A_18 : i32
      %eq3A = arith.constant -1 : i32
      %eq3A_21 = arith.cmpi eq, %select_n3A_20, %eq3A : i32
      %select_n3A_22 = arith.constant 1 : i32
      %select_n3A_23 = arith.select %eq3A_21, %select_n3A_22, %select_n3A_20 : i32
      %select_n3A_24 = arith.constant 0 : i32
      %select_n3A_25 = arith.constant -1 : i32
      %select_n3A_26 = arith.select %eq3A_21, %select_n3A_25, %select_n3A_24 : i32
      %eq3A_27 = arith.constant -1 : i32
      %eq3A_28 = arith.cmpi eq, %select_n3A_26, %eq3A_27 : i32
      %select_n3A_29 = arith.constant 15 : i32
      %select_n3A_30 = arith.select %eq3A_28, %select_n3A_29, %select_n3A_26 : i32
      %add3A_31 = arith.addi %select_n3A_30, %mul3A_6 : i32
      %add3A_32 = arith.constant 0 : i32
      %add3A_33 = arith.addi %select_n3A_23, %add3A_32 : i32
      %select_n3A_34 = arith.constant true
      %select_n3A_35 = arith.constant 0 : i32
      %select_n3A_36 = arith.constant 1 : i32
      %select_n3A_37 = arith.select %select_n3A_34, %select_n3A_36, %select_n3A_35 : i32
      %eq3A_38 = arith.constant 2 : i32
      %eq3A_39 = arith.cmpi eq, %select_n3A_37, %eq3A_38 : i32
      %select_n3A_40 = arith.constant 0 : i32
      %select_n3A_41 = arith.select %eq3A_39, %select_n3A_40, %select_n3A_37 : i32
      %select_n3A_42 = arith.constant 0 : i32
      %select_n3A_43 = arith.constant 1 : i32
      %select_n3A_44 = arith.select %eq3A_39, %select_n3A_43, %select_n3A_42 : i32
      %eq3A_45 = arith.constant 16 : i32
      %eq3A_46 = arith.cmpi eq, %select_n3A_44, %eq3A_45 : i32
      %select_n3A_47 = arith.constant 0 : i32
      %select_n3A_48 = arith.select %eq3A_46, %select_n3A_47, %select_n3A_44 : i32
      %add3A_49 = arith.addi %select_n3A_48, %mul3A_6 : i32
      %add3A_50 = arith.constant 0 : i32
      %add3A_51 = arith.addi %select_n3A_41, %add3A_50 : i32
      %add3A_52 = arith.constant 1 : i32
      %add3A_53 = arith.addi %select_n3A_41, %add3A_52 : i32
      %select_n3A_54 = arith.constant true
      %select_n3A_55 = arith.select %select_n3A_54, %add3A_53, %select_n3A_41 : i32
      %eq3A_56 = arith.constant 2 : i32
      %eq3A_57 = arith.cmpi eq, %select_n3A_55, %eq3A_56 : i32
      %select_n3A_58 = arith.constant 0 : i32
      %select_n3A_59 = arith.select %eq3A_57, %select_n3A_58, %select_n3A_55 : i32
      %add3A_60 = arith.constant 1 : i32
      %add3A_61 = arith.addi %select_n3A_48, %add3A_60 : i32
      %select_n3A_62 = arith.select %eq3A_57, %add3A_61, %select_n3A_48 : i32
      %eq3A_63 = arith.constant 16 : i32
      %eq3A_64 = arith.cmpi eq, %select_n3A_62, %eq3A_63 : i32
      %select_n3A_65 = arith.constant 0 : i32
      %select_n3A_66 = arith.select %eq3A_64, %select_n3A_65, %select_n3A_62 : i32
      %add3A_67 = arith.addi %select_n3A_66, %mul3A_6 : i32
      %add3A_68 = arith.constant 0 : i32
      %add3A_69 = arith.addi %select_n3A_59, %add3A_68 : i32
      "tpu.trace_start"() <{level = 10 : i32, message = "ep_initialize_0"}> : () -> ()
      %rem3A = arith.constant 0 : i32
      %rem3A_70 = arith.constant 2 : i32
      %rem3A_71 = arith.remui %rem3A, %rem3A_70 : i32
      %add3A_72 = arith.constant 0 : i32
      %add3A_73 = arith.addi %add3A_72, %add3A_17 : i32
      %mul3A_74 = arith.constant 16 : i32
      %mul3A_75 = arith.muli %mul3A_74, %add3A_73 : i32
      %dma_start3A = arith.constant 0 : i32
      %dma_start3A_76 = arith.constant 0 : i32
      %dma_start3A_77 = tpu.memref_slice %run_scoped3A[%rem3A_71, %dma_start3A, %dma_start3A_76] : memref<2x16x768xf32, #tpu.memory_space<vmem>> -> memref<1x16x768xf32, #tpu.memory_space<vmem>>
      %dma_start3A_78 = tpu.memref_squeeze %dma_start3A_77 : memref<1x16x768xf32, #tpu.memory_space<vmem>> -> memref<16x768xf32, #tpu.memory_space<vmem>>
      %dma_start3A_79 = arith.constant 0 : i32
      %dma_start3A_80 = tpu.memref_slice %arg2[%mul3A_75, %dma_start3A_79] : memref<32768x768xf32, #tpu.memory_space<hbm>> -> memref<16x768xf32, #tpu.memory_space<hbm>>
      %dma_start3A_81 = tpu.memref_slice %run_scoped3A_7[%rem3A_71] : memref<2x!tpu.dma_semaphore, #tpu.memory_space<semaphore_mem>> -> memref<1x!tpu.dma_semaphore, #tpu.memory_space<semaphore_mem>>
      %dma_start3A_82 = tpu.memref_squeeze %dma_start3A_81 : memref<1x!tpu.dma_semaphore, #tpu.memory_space<semaphore_mem>> -> memref<!tpu.dma_semaphore, #tpu.memory_space<semaphore_mem>>
      %dma_start3A_83 = arith.constant 0 : i32
      %dma_start3A_84 = arith.constant 0 : i32
      %dma_start3A_85 = tpu.memref_slice %run_scoped3A[%rem3A_71, %dma_start3A_83, %dma_start3A_84] : memref<2x16x768xf32, #tpu.memory_space<vmem>> -> memref<1x16x768xf32, #tpu.memory_space<vmem>>
      %dma_start3A_86 = tpu.memref_squeeze %dma_start3A_85 : memref<1x16x768xf32, #tpu.memory_space<vmem>> -> memref<16x768xf32, #tpu.memory_space<vmem>>
      %dma_start3A_87 = arith.constant 0 : i32
      %dma_start3A_88 = tpu.memref_slice %arg2[%mul3A_75, %dma_start3A_87] : memref<32768x768xf32, #tpu.memory_space<hbm>> -> memref<16x768xf32, #tpu.memory_space<hbm>>
      tpu.enqueue_dma source(%dma_start3A_88 : memref<16x768xf32, #tpu.memory_space<hbm>>) target(%dma_start3A_86 : memref<16x768xf32, #tpu.memory_space<vmem>>) target_semaphore(%dma_start3A_82 : memref<!tpu.dma_semaphore, #tpu.memory_space<semaphore_mem>>)
      %add3A_89 = arith.constant 0 : i32
      %add3A_90 = arith.constant 1 : i32
      %add3A_91 = arith.addi %add3A_89, %add3A_90 : i32
      %select_n3A_92 = arith.constant true
      %select_n3A_93 = arith.constant 0 : i32
      %select_n3A_94 = arith.select %select_n3A_92, %add3A_91, %select_n3A_93 : i32
      %rem3A_95 = arith.constant 0 : i32
      %rem3A_96 = arith.constant 2 : i32
      %rem3A_97 = arith.remui %rem3A_95, %rem3A_96 : i32
      %add3A_98 = arith.constant 512 : i32
      %add3A_99 = arith.addi %add3A_98, %add3A_17 : i32
      %mul3A_100 = arith.constant 16 : i32
      %mul3A_101 = arith.muli %mul3A_100, %add3A_99 : i32
      %dma_start3A_102 = arith.constant 0 : i32
      %dma_start3A_103 = arith.constant 0 : i32
      %dma_start3A_104 = tpu.memref_slice %run_scoped3A_8[%rem3A_97, %dma_start3A_102, %dma_start3A_103] : memref<2x16x768xf32, #tpu.memory_space<vmem>> -> memref<1x16x768xf32, #tpu.memory_space<vmem>>
      %dma_start3A_105 = tpu.memref_squeeze %dma_start3A_104 : memref<1x16x768xf32, #tpu.memory_space<vmem>> -> memref<16x768xf32, #tpu.memory_space<vmem>>
      %dma_start3A_106 = arith.constant 0 : i32
      %dma_start3A_107 = tpu.memref_slice %arg2[%mul3A_101, %dma_start3A_106] : memref<32768x768xf32, #tpu.memory_space<hbm>> -> memref<16x768xf32, #tpu.memory_space<hbm>>
      %dma_start3A_108 = tpu.memref_slice %run_scoped3A_9[%rem3A_97] : memref<2x!tpu.dma_semaphore, #tpu.memory_space<semaphore_mem>> -> memref<1x!tpu.dma_semaphore, #tpu.memory_space<semaphore_mem>>
      %dma_start3A_109 = tpu.memref_squeeze %dma_start3A_108 : memref<1x!tpu.dma_semaphore, #tpu.memory_space<semaphore_mem>> -> memref<!tpu.dma_semaphore, #tpu.memory_space<semaphore_mem>>
      %dma_start3A_110 = arith.constant 0 : i32
      %dma_start3A_111 = arith.constant 0 : i32
      %dma_start3A_112 = tpu.memref_slice %run_scoped3A_8[%rem3A_97, %dma_start3A_110, %dma_start3A_111] : memref<2x16x768xf32, #tpu.memory_space<vmem>> -> memref<1x16x768xf32, #tpu.memory_space<vmem>>
      %dma_start3A_113 = tpu.memref_squeeze %dma_start3A_112 : memref<1x16x768xf32, #tpu.memory_space<vmem>> -> memref<16x768xf32, #tpu.memory_space<vmem>>
      %dma_start3A_114 = arith.constant 0 : i32
      %dma_start3A_115 = tpu.memref_slice %arg2[%mul3A_101, %dma_start3A_114] : memref<32768x768xf32, #tpu.memory_space<hbm>> -> memref<16x768xf32, #tpu.memory_space<hbm>>
      tpu.enqueue_dma source(%dma_start3A_115 : memref<16x768xf32, #tpu.memory_space<hbm>>) target(%dma_start3A_113 : memref<16x768xf32, #tpu.memory_space<vmem>>) target_semaphore(%dma_start3A_109 : memref<!tpu.dma_semaphore, #tpu.memory_space<semaphore_mem>>)
      %add3A_116 = arith.constant 0 : i32
      %add3A_117 = arith.constant 1 : i32
      %add3A_118 = arith.addi %add3A_116, %add3A_117 : i32
      %select_n3A_119 = arith.constant true
      %select_n3A_120 = arith.constant 0 : i32
      %select_n3A_121 = arith.select %select_n3A_119, %add3A_118, %select_n3A_120 : i32
      %rem3A_122 = arith.constant 0 : i32
      %rem3A_123 = arith.constant 2 : i32
      %rem3A_124 = arith.remui %rem3A_122, %rem3A_123 : i32
      %mul3A_125 = arith.constant 16 : i32
      %mul3A_126 = arith.muli %mul3A_125, %add3A_17 : i32
      %dma_start3A_127 = arith.constant 0 : i32
      %dma_start3A_128 = arith.constant 0 : i32
      %dma_start3A_129 = tpu.memref_slice %run_scoped3A_10[%rem3A_124, %dma_start3A_127, %dma_start3A_128] : memref<2x16x768xf32, #tpu.memory_space<vmem>> -> memref<1x16x768xf32, #tpu.memory_space<vmem>>
      %dma_start3A_130 = tpu.memref_squeeze %dma_start3A_129 : memref<1x16x768xf32, #tpu.memory_space<vmem>> -> memref<16x768xf32, #tpu.memory_space<vmem>>
      %dma_start3A_131 = arith.constant 0 : i32
      %dma_start3A_132 = tpu.memref_slice %arg3[%mul3A_126, %dma_start3A_131] : memref<8192x768xf32, #tpu.memory_space<hbm>> -> memref<16x768xf32, #tpu.memory_space<hbm>>
      %dma_start3A_133 = tpu.memref_slice %run_scoped3A_11[%rem3A_124] : memref<2x!tpu.dma_semaphore, #tpu.memory_space<semaphore_mem>> -> memref<1x!tpu.dma_semaphore, #tpu.memory_space<semaphore_mem>>
      %dma_start3A_134 = tpu.memref_squeeze %dma_start3A_133 : memref<1x!tpu.dma_semaphore, #tpu.memory_space<semaphore_mem>> -> memref<!tpu.dma_semaphore, #tpu.memory_space<semaphore_mem>>
      %dma_start3A_135 = arith.constant 0 : i32
      %dma_start3A_136 = arith.constant 0 : i32
      %dma_start3A_137 = tpu.memref_slice %run_scoped3A_10[%rem3A_124, %dma_start3A_135, %dma_start3A_136] : memref<2x16x768xf32, #tpu.memory_space<vmem>> -> memref<1x16x768xf32, #tpu.memory_space<vmem>>
      %dma_start3A_138 = tpu.memref_squeeze %dma_start3A_137 : memref<1x16x768xf32, #tpu.memory_space<vmem>> -> memref<16x768xf32, #tpu.memory_space<vmem>>
      %dma_start3A_139 = arith.constant 0 : i32
      %dma_start3A_140 = tpu.memref_slice %arg3[%mul3A_126, %dma_start3A_139] : memref<8192x768xf32, #tpu.memory_space<hbm>> -> memref<16x768xf32, #tpu.memory_space<hbm>>
      tpu.enqueue_dma source(%dma_start3A_140 : memref<16x768xf32, #tpu.memory_space<hbm>>) target(%dma_start3A_138 : memref<16x768xf32, #tpu.memory_space<vmem>>) target_semaphore(%dma_start3A_134 : memref<!tpu.dma_semaphore, #tpu.memory_space<semaphore_mem>>)
      %add3A_141 = arith.constant 0 : i32
      %add3A_142 = arith.constant 1 : i32
      %add3A_143 = arith.addi %add3A_141, %add3A_142 : i32
      %select_n3A_144 = arith.constant true
      %select_n3A_145 = arith.constant 0 : i32
      %select_n3A_146 = arith.select %select_n3A_144, %add3A_143, %select_n3A_145 : i32
      "tpu.trace_stop"() : () -> ()
      %scan3A = arith.constant 0 : i32
      %scan3A_147 = arith.constant 0 : i32
      %scan3A_148 = arith.constant 0 : i32
      %scan3A_149 = arith.constant 0 : i32
      %scan3A_150 = arith.constant 0 : i32
      %scan3A_151 = arith.constant 0 : i32
      %scan3A_152 = arith.constant 0 : i32
      %scan3A_153 = arith.constant 0 : i32
      %scan3A_154 = arith.constant 0 : i32
      %scan3A_155 = arith.constant 0 : i32
      %scan3A_156 = arith.constant 32 : i32
      %scan3A_157 = arith.addi %scan3A_155, %scan3A_156 : i32
      %scan3A_158 = arith.constant 1 : i32
      %scan3A_159:12 = scf.for %scan3A_281 = %scan3A_155 to %scan3A_157 step %scan3A_158 iter_args(%scan3A_282 = %select_n3A_94, %scan3A_283 = %scan3A, %scan3A_284 = %select_n3A_121, %scan3A_285 = %scan3A_147, %scan3A_286 = %select_n3A_146, %scan3A_287 = %scan3A_148, %scan3A_288 = %scan3A_149, %scan3A_289 = %scan3A_150, %scan3A_290 = %scan3A_151, %scan3A_291 = %scan3A_152, %scan3A_292 = %scan3A_153, %scan3A_293 = %scan3A_154) -> (i32, i32, i32, i32, i32, i32, i32, i32, i32, i32, i32, i32)  : i32 {
        %eq3A_294 = arith.constant 0 : i32
        %eq3A_295 = arith.cmpi eq, %scan3A_281, %eq3A_294 : i32
        %eq3A_296 = arith.constant 31 : i32
        %eq3A_297 = arith.cmpi eq, %scan3A_281, %eq3A_296 : i32
        %add3A_298 = arith.addi %scan3A_292, %mul3A_6 : i32
        %add3A_299 = arith.constant 0 : i32
        %add3A_300 = arith.addi %scan3A_293, %add3A_299 : i32
        %sub3A_301 = arith.constant 1 : i32
        %sub3A_302 = arith.subi %scan3A_293, %sub3A_301 : i32
        %select_n3A_303 = arith.constant true
        %select_n3A_304 = arith.select %select_n3A_303, %sub3A_302, %scan3A_293 : i32
        %eq3A_305 = arith.constant -1 : i32
        %eq3A_306 = arith.cmpi eq, %select_n3A_304, %eq3A_305 : i32
        %select_n3A_307 = arith.constant 1 : i32
        %select_n3A_308 = arith.select %eq3A_306, %select_n3A_307, %select_n3A_304 : i32
        %sub3A_309 = arith.constant 1 : i32
        %sub3A_310 = arith.subi %scan3A_292, %sub3A_309 : i32
        %select_n3A_311 = arith.select %eq3A_306, %sub3A_310, %scan3A_292 : i32
        %eq3A_312 = arith.constant -1 : i32
        %eq3A_313 = arith.cmpi eq, %select_n3A_311, %eq3A_312 : i32
        %select_n3A_314 = arith.constant 15 : i32
        %select_n3A_315 = arith.select %eq3A_313, %select_n3A_314, %select_n3A_311 : i32
        %add3A_316 = arith.addi %select_n3A_315, %mul3A_6 : i32
        %add3A_317 = arith.constant 0 : i32
        %add3A_318 = arith.addi %select_n3A_308, %add3A_317 : i32
        %add3A_319 = arith.constant 1 : i32
        %add3A_320 = arith.addi %scan3A_293, %add3A_319 : i32
        %select_n3A_321 = arith.constant true
        %select_n3A_322 = arith.select %select_n3A_321, %add3A_320, %scan3A_293 : i32
        %eq3A_323 = arith.constant 2 : i32
        %eq3A_324 = arith.cmpi eq, %select_n3A_322, %eq3A_323 : i32
        %select_n3A_325 = arith.constant 0 : i32
        %select_n3A_326 = arith.select %eq3A_324, %select_n3A_325, %select_n3A_322 : i32
        %add3A_327 = arith.constant 1 : i32
        %add3A_328 = arith.addi %scan3A_292, %add3A_327 : i32
        %select_n3A_329 = arith.select %eq3A_324, %add3A_328, %scan3A_292 : i32
        %eq3A_330 = arith.constant 16 : i32
        %eq3A_331 = arith.cmpi eq, %select_n3A_329, %eq3A_330 : i32
        %select_n3A_332 = arith.constant 0 : i32
        %select_n3A_333 = arith.select %eq3A_331, %select_n3A_332, %select_n3A_329 : i32
        %add3A_334 = arith.addi %select_n3A_333, %mul3A_6 : i32
        %add3A_335 = arith.constant 0 : i32
        %add3A_336 = arith.addi %select_n3A_326, %add3A_335 : i32
        %add3A_337 = arith.constant 1 : i32
        %add3A_338 = arith.addi %select_n3A_326, %add3A_337 : i32
        %select_n3A_339 = arith.constant true
        %select_n3A_340 = arith.select %select_n3A_339, %add3A_338, %select_n3A_326 : i32
        %eq3A_341 = arith.constant 2 : i32
        %eq3A_342 = arith.cmpi eq, %select_n3A_340, %eq3A_341 : i32
        %select_n3A_343 = arith.constant 0 : i32
        %select_n3A_344 = arith.select %eq3A_342, %select_n3A_343, %select_n3A_340 : i32
        %add3A_345 = arith.constant 1 : i32
        %add3A_346 = arith.addi %select_n3A_333, %add3A_345 : i32
        %select_n3A_347 = arith.select %eq3A_342, %add3A_346, %select_n3A_333 : i32
        %eq3A_348 = arith.constant 16 : i32
        %eq3A_349 = arith.cmpi eq, %select_n3A_347, %eq3A_348 : i32
        %select_n3A_350 = arith.constant 0 : i32
        %select_n3A_351 = arith.select %eq3A_349, %select_n3A_350, %select_n3A_347 : i32
        %add3A_352 = arith.addi %select_n3A_351, %mul3A_6 : i32
        %add3A_353 = arith.constant 0 : i32
        %add3A_354 = arith.addi %select_n3A_344, %add3A_353 : i32
        %mul3A_355 = arith.constant 2 : i32
        %mul3A_356 = arith.muli %mul3A_355, %add3A_300 : i32
        %add3A_357 = arith.constant 0 : i32
        %add3A_358 = arith.addi %mul3A_356, %add3A_357 : i32
        %mul3A_359 = arith.constant 512 : i32
        %mul3A_360 = arith.muli %add3A_358, %mul3A_359 : i32
        %add3A_361 = arith.addi %mul3A_360, %add3A_298 : i32
        %mul3A_362 = arith.constant 2 : i32
        %mul3A_363 = arith.muli %mul3A_362, %add3A_336 : i32
        %add3A_364 = arith.constant 0 : i32
        %add3A_365 = arith.addi %mul3A_363, %add3A_364 : i32
        %mul3A_366 = arith.constant 512 : i32
        %mul3A_367 = arith.muli %add3A_365, %mul3A_366 : i32
        %add3A_368 = arith.addi %mul3A_367, %add3A_334 : i32
        %ne3A = arith.cmpi ne, %add3A_361, %add3A_368 : i32
        %or3A = arith.constant false
        %or3A_369 = arith.ori %or3A, %ne3A : i1
        %or3A_370 = arith.constant false
        %or3A_371 = arith.ori %or3A_369, %or3A_370 : i1
        %ge3A = arith.constant 31 : i32
        %ge3A_372 = arith.cmpi sge, %scan3A_281, %ge3A : i32
        %not3A = arith.constant true
        %not3A_373 = arith.xori %ge3A_372, %not3A : i1
        %and3A = arith.andi %or3A_371, %not3A_373 : i1
        %convert_element_type3A = arith.extui %and3A : i1 to i32
        %cond3A = arith.constant 0 : i32
        %cond3A_374 = arith.cmpi ne, %convert_element_type3A, %cond3A : i32
        scf.if %cond3A_374 {
          "tpu.trace_start"() <{level = 10 : i32, message = "ep_copy_in"}> : () -> ()
          %rem3A_908 = arith.constant 2 : i32
          %rem3A_909 = arith.remui %scan3A_282, %rem3A_908 : i32
          %mul3A_910 = arith.constant 2 : i32
          %mul3A_911 = arith.muli %mul3A_910, %add3A_336 : i32
          %add3A_912 = arith.constant 0 : i32
          %add3A_913 = arith.addi %mul3A_911, %add3A_912 : i32
          %mul3A_914 = arith.constant 512 : i32
          %mul3A_915 = arith.muli %add3A_913, %mul3A_914 : i32
          %add3A_916 = arith.addi %mul3A_915, %add3A_334 : i32
          %mul3A_917 = arith.constant 16 : i32
          %mul3A_918 = arith.muli %mul3A_917, %add3A_916 : i32
          %dma_start3A_919 = arith.constant 0 : i32
          %dma_start3A_920 = arith.constant 0 : i32
          %dma_start3A_921 = tpu.memref_slice %run_scoped3A[%rem3A_909, %dma_start3A_919, %dma_start3A_920] : memref<2x16x768xf32, #tpu.memory_space<vmem>> -> memref<1x16x768xf32, #tpu.memory_space<vmem>>
          %dma_start3A_922 = tpu.memref_squeeze %dma_start3A_921 : memref<1x16x768xf32, #tpu.memory_space<vmem>> -> memref<16x768xf32, #tpu.memory_space<vmem>>
          %dma_start3A_923 = arith.constant 0 : i32
          %dma_start3A_924 = tpu.memref_slice %arg2[%mul3A_918, %dma_start3A_923] : memref<32768x768xf32, #tpu.memory_space<hbm>> -> memref<16x768xf32, #tpu.memory_space<hbm>>
          %dma_start3A_925 = tpu.memref_slice %run_scoped3A_7[%rem3A_909] : memref<2x!tpu.dma_semaphore, #tpu.memory_space<semaphore_mem>> -> memref<1x!tpu.dma_semaphore, #tpu.memory_space<semaphore_mem>>
          %dma_start3A_926 = tpu.memref_squeeze %dma_start3A_925 : memref<1x!tpu.dma_semaphore, #tpu.memory_space<semaphore_mem>> -> memref<!tpu.dma_semaphore, #tpu.memory_space<semaphore_mem>>
          %dma_start3A_927 = arith.constant 0 : i32
          %dma_start3A_928 = arith.constant 0 : i32
          %dma_start3A_929 = tpu.memref_slice %run_scoped3A[%rem3A_909, %dma_start3A_927, %dma_start3A_928] : memref<2x16x768xf32, #tpu.memory_space<vmem>> -> memref<1x16x768xf32, #tpu.memory_space<vmem>>
          %dma_start3A_930 = tpu.memref_squeeze %dma_start3A_929 : memref<1x16x768xf32, #tpu.memory_space<vmem>> -> memref<16x768xf32, #tpu.memory_space<vmem>>
          %dma_start3A_931 = arith.constant 0 : i32
          %dma_start3A_932 = tpu.memref_slice %arg2[%mul3A_918, %dma_start3A_931] : memref<32768x768xf32, #tpu.memory_space<hbm>> -> memref<16x768xf32, #tpu.memory_space<hbm>>
          tpu.enqueue_dma source(%dma_start3A_932 : memref<16x768xf32, #tpu.memory_space<hbm>>) target(%dma_start3A_930 : memref<16x768xf32, #tpu.memory_space<vmem>>) target_semaphore(%dma_start3A_926 : memref<!tpu.dma_semaphore, #tpu.memory_space<semaphore_mem>>)
          "tpu.trace_stop"() : () -> ()
        } else {
        }
        %and3A_375 = arith.constant true
        %and3A_376 = arith.andi %and3A, %and3A_375 : i1
        %add3A_377 = arith.constant 1 : i32
        %add3A_378 = arith.addi %scan3A_282, %add3A_377 : i32
        %select_n3A_379 = arith.select %and3A_376, %add3A_378, %scan3A_282 : i32
        %mul3A_380 = arith.constant 2 : i32
        %mul3A_381 = arith.muli %mul3A_380, %add3A_300 : i32
        %add3A_382 = arith.constant 1 : i32
        %add3A_383 = arith.addi %mul3A_381, %add3A_382 : i32
        %mul3A_384 = arith.constant 512 : i32
        %mul3A_385 = arith.muli %add3A_383, %mul3A_384 : i32
        %add3A_386 = arith.addi %mul3A_385, %add3A_298 : i32
        %mul3A_387 = arith.constant 2 : i32
        %mul3A_388 = arith.muli %mul3A_387, %add3A_336 : i32
        %add3A_389 = arith.constant 1 : i32
        %add3A_390 = arith.addi %mul3A_388, %add3A_389 : i32
        %mul3A_391 = arith.constant 512 : i32
        %mul3A_392 = arith.muli %add3A_390, %mul3A_391 : i32
        %add3A_393 = arith.addi %mul3A_392, %add3A_334 : i32
        %ne3A_394 = arith.cmpi ne, %add3A_386, %add3A_393 : i32
        %or3A_395 = arith.constant false
        %or3A_396 = arith.ori %or3A_395, %ne3A_394 : i1
        %or3A_397 = arith.constant false
        %or3A_398 = arith.ori %or3A_396, %or3A_397 : i1
        %ge3A_399 = arith.constant 31 : i32
        %ge3A_400 = arith.cmpi sge, %scan3A_281, %ge3A_399 : i32
        %not3A_401 = arith.constant true
        %not3A_402 = arith.xori %ge3A_400, %not3A_401 : i1
        %and3A_403 = arith.andi %or3A_398, %not3A_402 : i1
        %convert_element_type3A_404 = arith.extui %and3A_403 : i1 to i32
        %cond3A_405 = arith.constant 0 : i32
        %cond3A_406 = arith.cmpi ne, %convert_element_type3A_404, %cond3A_405 : i32
        scf.if %cond3A_406 {
          "tpu.trace_start"() <{level = 10 : i32, message = "ep_copy_in"}> : () -> ()
          %rem3A_908 = arith.constant 2 : i32
          %rem3A_909 = arith.remui %scan3A_284, %rem3A_908 : i32
          %mul3A_910 = arith.constant 2 : i32
          %mul3A_911 = arith.muli %mul3A_910, %add3A_336 : i32
          %add3A_912 = arith.constant 1 : i32
          %add3A_913 = arith.addi %mul3A_911, %add3A_912 : i32
          %mul3A_914 = arith.constant 512 : i32
          %mul3A_915 = arith.muli %add3A_913, %mul3A_914 : i32
          %add3A_916 = arith.addi %mul3A_915, %add3A_334 : i32
          %mul3A_917 = arith.constant 16 : i32
          %mul3A_918 = arith.muli %mul3A_917, %add3A_916 : i32
          %dma_start3A_919 = arith.constant 0 : i32
          %dma_start3A_920 = arith.constant 0 : i32
          %dma_start3A_921 = tpu.memref_slice %run_scoped3A_8[%rem3A_909, %dma_start3A_919, %dma_start3A_920] : memref<2x16x768xf32, #tpu.memory_space<vmem>> -> memref<1x16x768xf32, #tpu.memory_space<vmem>>
          %dma_start3A_922 = tpu.memref_squeeze %dma_start3A_921 : memref<1x16x768xf32, #tpu.memory_space<vmem>> -> memref<16x768xf32, #tpu.memory_space<vmem>>
          %dma_start3A_923 = arith.constant 0 : i32
          %dma_start3A_924 = tpu.memref_slice %arg2[%mul3A_918, %dma_start3A_923] : memref<32768x768xf32, #tpu.memory_space<hbm>> -> memref<16x768xf32, #tpu.memory_space<hbm>>
          %dma_start3A_925 = tpu.memref_slice %run_scoped3A_9[%rem3A_909] : memref<2x!tpu.dma_semaphore, #tpu.memory_space<semaphore_mem>> -> memref<1x!tpu.dma_semaphore, #tpu.memory_space<semaphore_mem>>
          %dma_start3A_926 = tpu.memref_squeeze %dma_start3A_925 : memref<1x!tpu.dma_semaphore, #tpu.memory_space<semaphore_mem>> -> memref<!tpu.dma_semaphore, #tpu.memory_space<semaphore_mem>>
          %dma_start3A_927 = arith.constant 0 : i32
          %dma_start3A_928 = arith.constant 0 : i32
          %dma_start3A_929 = tpu.memref_slice %run_scoped3A_8[%rem3A_909, %dma_start3A_927, %dma_start3A_928] : memref<2x16x768xf32, #tpu.memory_space<vmem>> -> memref<1x16x768xf32, #tpu.memory_space<vmem>>
          %dma_start3A_930 = tpu.memref_squeeze %dma_start3A_929 : memref<1x16x768xf32, #tpu.memory_space<vmem>> -> memref<16x768xf32, #tpu.memory_space<vmem>>
          %dma_start3A_931 = arith.constant 0 : i32
          %dma_start3A_932 = tpu.memref_slice %arg2[%mul3A_918, %dma_start3A_931] : memref<32768x768xf32, #tpu.memory_space<hbm>> -> memref<16x768xf32, #tpu.memory_space<hbm>>
          tpu.enqueue_dma source(%dma_start3A_932 : memref<16x768xf32, #tpu.memory_space<hbm>>) target(%dma_start3A_930 : memref<16x768xf32, #tpu.memory_space<vmem>>) target_semaphore(%dma_start3A_926 : memref<!tpu.dma_semaphore, #tpu.memory_space<semaphore_mem>>)
          "tpu.trace_stop"() : () -> ()
        } else {
        }
        %and3A_407 = arith.constant true
        %and3A_408 = arith.andi %and3A_403, %and3A_407 : i1
        %add3A_409 = arith.constant 1 : i32
        %add3A_410 = arith.addi %scan3A_284, %add3A_409 : i32
        %select_n3A_411 = arith.select %and3A_408, %add3A_410, %scan3A_284 : i32
        %ne3A_412 = arith.cmpi ne, %add3A_298, %add3A_334 : i32
        %or3A_413 = arith.constant false
        %or3A_414 = arith.ori %or3A_413, %ne3A_412 : i1
        %or3A_415 = arith.constant false
        %or3A_416 = arith.ori %or3A_414, %or3A_415 : i1
        %ge3A_417 = arith.constant 31 : i32
        %ge3A_418 = arith.cmpi sge, %scan3A_281, %ge3A_417 : i32
        %not3A_419 = arith.constant true
        %not3A_420 = arith.xori %ge3A_418, %not3A_419 : i1
        %and3A_421 = arith.andi %or3A_416, %not3A_420 : i1
        %convert_element_type3A_422 = arith.extui %and3A_421 : i1 to i32
        %cond3A_423 = arith.constant 0 : i32
        %cond3A_424 = arith.cmpi ne, %convert_element_type3A_422, %cond3A_423 : i32
        scf.if %cond3A_424 {
          "tpu.trace_start"() <{level = 10 : i32, message = "ep_copy_in"}> : () -> ()
          %rem3A_908 = arith.constant 2 : i32
          %rem3A_909 = arith.remui %scan3A_286, %rem3A_908 : i32
          %mul3A_910 = arith.constant 16 : i32
          %mul3A_911 = arith.muli %mul3A_910, %add3A_334 : i32
          %dma_start3A_912 = arith.constant 0 : i32
          %dma_start3A_913 = arith.constant 0 : i32
          %dma_start3A_914 = tpu.memref_slice %run_scoped3A_10[%rem3A_909, %dma_start3A_912, %dma_start3A_913] : memref<2x16x768xf32, #tpu.memory_space<vmem>> -> memref<1x16x768xf32, #tpu.memory_space<vmem>>
          %dma_start3A_915 = tpu.memref_squeeze %dma_start3A_914 : memref<1x16x768xf32, #tpu.memory_space<vmem>> -> memref<16x768xf32, #tpu.memory_space<vmem>>
          %dma_start3A_916 = arith.constant 0 : i32
          %dma_start3A_917 = tpu.memref_slice %arg3[%mul3A_911, %dma_start3A_916] : memref<8192x768xf32, #tpu.memory_space<hbm>> -> memref<16x768xf32, #tpu.memory_space<hbm>>
          %dma_start3A_918 = tpu.memref_slice %run_scoped3A_11[%rem3A_909] : memref<2x!tpu.dma_semaphore, #tpu.memory_space<semaphore_mem>> -> memref<1x!tpu.dma_semaphore, #tpu.memory_space<semaphore_mem>>
          %dma_start3A_919 = tpu.memref_squeeze %dma_start3A_918 : memref<1x!tpu.dma_semaphore, #tpu.memory_space<semaphore_mem>> -> memref<!tpu.dma_semaphore, #tpu.memory_space<semaphore_mem>>
          %dma_start3A_920 = arith.constant 0 : i32
          %dma_start3A_921 = arith.constant 0 : i32
          %dma_start3A_922 = tpu.memref_slice %run_scoped3A_10[%rem3A_909, %dma_start3A_920, %dma_start3A_921] : memref<2x16x768xf32, #tpu.memory_space<vmem>> -> memref<1x16x768xf32, #tpu.memory_space<vmem>>
          %dma_start3A_923 = tpu.memref_squeeze %dma_start3A_922 : memref<1x16x768xf32, #tpu.memory_space<vmem>> -> memref<16x768xf32, #tpu.memory_space<vmem>>
          %dma_start3A_924 = arith.constant 0 : i32
          %dma_start3A_925 = tpu.memref_slice %arg3[%mul3A_911, %dma_start3A_924] : memref<8192x768xf32, #tpu.memory_space<hbm>> -> memref<16x768xf32, #tpu.memory_space<hbm>>
          tpu.enqueue_dma source(%dma_start3A_925 : memref<16x768xf32, #tpu.memory_space<hbm>>) target(%dma_start3A_923 : memref<16x768xf32, #tpu.memory_space<vmem>>) target_semaphore(%dma_start3A_919 : memref<!tpu.dma_semaphore, #tpu.memory_space<semaphore_mem>>)
          "tpu.trace_stop"() : () -> ()
        } else {
        }
        %and3A_425 = arith.constant true
        %and3A_426 = arith.andi %and3A_421, %and3A_425 : i1
        %add3A_427 = arith.constant 1 : i32
        %add3A_428 = arith.addi %scan3A_286, %add3A_427 : i32
        %select_n3A_429 = arith.select %and3A_426, %add3A_428, %scan3A_286 : i32
        %mul3A_430 = arith.constant 2 : i32
        %mul3A_431 = arith.muli %mul3A_430, %add3A_300 : i32
        %add3A_432 = arith.constant 0 : i32
        %add3A_433 = arith.addi %mul3A_431, %add3A_432 : i32
        %mul3A_434 = arith.constant 512 : i32
        %mul3A_435 = arith.muli %add3A_433, %mul3A_434 : i32
        %add3A_436 = arith.addi %mul3A_435, %add3A_298 : i32
        %mul3A_437 = arith.constant 2 : i32
        %mul3A_438 = arith.muli %mul3A_437, %add3A_336 : i32
        %add3A_439 = arith.constant 0 : i32
        %add3A_440 = arith.addi %mul3A_438, %add3A_439 : i32
        %mul3A_441 = arith.constant 512 : i32
        %mul3A_442 = arith.muli %add3A_440, %mul3A_441 : i32
        %add3A_443 = arith.addi %mul3A_442, %add3A_334 : i32
        %ne3A_444 = arith.cmpi ne, %add3A_436, %add3A_443 : i32
        %or3A_445 = arith.constant false
        %or3A_446 = arith.ori %or3A_445, %ne3A_444 : i1
        %or3A_447 = arith.constant false
        %or3A_448 = arith.ori %or3A_446, %or3A_447 : i1
        %ge3A_449 = arith.constant 31 : i32
        %ge3A_450 = arith.cmpi sge, %scan3A_281, %ge3A_449 : i32
        %not3A_451 = arith.constant true
        %not3A_452 = arith.xori %ge3A_450, %not3A_451 : i1
        %and3A_453 = arith.andi %or3A_448, %not3A_452 : i1
        %mul3A_454 = arith.constant 2 : i32
        %mul3A_455 = arith.muli %mul3A_454, %add3A_300 : i32
        %add3A_456 = arith.constant 1 : i32
        %add3A_457 = arith.addi %mul3A_455, %add3A_456 : i32
        %mul3A_458 = arith.constant 512 : i32
        %mul3A_459 = arith.muli %add3A_457, %mul3A_458 : i32
        %add3A_460 = arith.addi %mul3A_459, %add3A_298 : i32
        %mul3A_461 = arith.constant 2 : i32
        %mul3A_462 = arith.muli %mul3A_461, %add3A_336 : i32
        %add3A_463 = arith.constant 1 : i32
        %add3A_464 = arith.addi %mul3A_462, %add3A_463 : i32
        %mul3A_465 = arith.constant 512 : i32
        %mul3A_466 = arith.muli %add3A_464, %mul3A_465 : i32
        %add3A_467 = arith.addi %mul3A_466, %add3A_334 : i32
        %ne3A_468 = arith.cmpi ne, %add3A_460, %add3A_467 : i32
        %or3A_469 = arith.constant false
        %or3A_470 = arith.ori %or3A_469, %ne3A_468 : i1
        %or3A_471 = arith.constant false
        %or3A_472 = arith.ori %or3A_470, %or3A_471 : i1
        %ge3A_473 = arith.constant 31 : i32
        %ge3A_474 = arith.cmpi sge, %scan3A_281, %ge3A_473 : i32
        %not3A_475 = arith.constant true
        %not3A_476 = arith.xori %ge3A_474, %not3A_475 : i1
        %and3A_477 = arith.andi %or3A_472, %not3A_476 : i1
        %mul3A_478 = arith.constant 2 : i32
        %mul3A_479 = arith.muli %mul3A_478, %add3A_300 : i32
        %add3A_480 = arith.constant 0 : i32
        %add3A_481 = arith.addi %mul3A_479, %add3A_480 : i32
        %mul3A_482 = arith.constant 512 : i32
        %mul3A_483 = arith.muli %add3A_481, %mul3A_482 : i32
        %add3A_484 = arith.addi %mul3A_483, %add3A_298 : i32
        %mul3A_485 = arith.constant 2 : i32
        %mul3A_486 = arith.muli %mul3A_485, %add3A_318 : i32
        %add3A_487 = arith.constant 0 : i32
        %add3A_488 = arith.addi %mul3A_486, %add3A_487 : i32
        %mul3A_489 = arith.constant 512 : i32
        %mul3A_490 = arith.muli %add3A_488, %mul3A_489 : i32
        %add3A_491 = arith.addi %mul3A_490, %add3A_316 : i32
        %ne3A_492 = arith.cmpi ne, %add3A_484, %add3A_491 : i32
        %or3A_493 = arith.constant false
        %or3A_494 = arith.ori %or3A_493, %ne3A_492 : i1
        %or3A_495 = arith.constant false
        %or3A_496 = arith.ori %or3A_494, %or3A_495 : i1
        %or3A_497 = arith.ori %or3A_496, %eq3A_295 : i1
        %convert_element_type3A_498 = arith.extui %or3A_497 : i1 to i32
        %cond3A_499 = arith.constant 0 : i32
        %cond3A_500 = arith.cmpi ne, %convert_element_type3A_498, %cond3A_499 : i32
        scf.if %cond3A_500 {
          "tpu.trace_start"() <{level = 10 : i32, message = "ep_wait_in"}> : () -> ()
          %mul3A_908 = arith.constant 2 : i32
          %mul3A_909 = arith.muli %mul3A_908, %add3A_300 : i32
          %add3A_910 = arith.constant 0 : i32
          %add3A_911 = arith.addi %mul3A_909, %add3A_910 : i32
          %mul3A_912 = arith.constant 512 : i32
          %mul3A_913 = arith.muli %add3A_911, %mul3A_912 : i32
          %add3A_914 = arith.addi %mul3A_913, %add3A_298 : i32
          %mul3A_915 = arith.constant 16 : i32
          %mul3A_916 = arith.muli %mul3A_915, %add3A_914 : i32
          %rem3A_917 = arith.constant 2 : i32
          %rem3A_918 = arith.remui %scan3A_283, %rem3A_917 : i32
          %dma_wait3A_919 = arith.constant 0 : i32
          %dma_wait3A_920 = arith.constant 0 : i32
          %dma_wait3A_921 = tpu.memref_slice %run_scoped3A[%rem3A_918, %dma_wait3A_919, %dma_wait3A_920] : memref<2x16x768xf32, #tpu.memory_space<vmem>> -> memref<1x16x768xf32, #tpu.memory_space<vmem>>
          %dma_wait3A_922 = tpu.memref_squeeze %dma_wait3A_921 : memref<1x16x768xf32, #tpu.memory_space<vmem>> -> memref<16x768xf32, #tpu.memory_space<vmem>>
          %dma_wait3A_923 = arith.constant 0 : i32
          %dma_wait3A_924 = tpu.memref_slice %arg2[%mul3A_916, %dma_wait3A_923] : memref<32768x768xf32, #tpu.memory_space<hbm>> -> memref<16x768xf32, #tpu.memory_space<hbm>>
          %dma_wait3A_925 = tpu.memref_slice %run_scoped3A_7[%rem3A_918] : memref<2x!tpu.dma_semaphore, #tpu.memory_space<semaphore_mem>> -> memref<1x!tpu.dma_semaphore, #tpu.memory_space<semaphore_mem>>
          %dma_wait3A_926 = tpu.memref_squeeze %dma_wait3A_925 : memref<1x!tpu.dma_semaphore, #tpu.memory_space<semaphore_mem>> -> memref<!tpu.dma_semaphore, #tpu.memory_space<semaphore_mem>>
          %dma_wait3A_927 = arith.constant 0 : i32
          %dma_wait3A_928 = arith.constant 0 : i32
          %dma_wait3A_929 = tpu.memref_slice %run_scoped3A[%rem3A_918, %dma_wait3A_927, %dma_wait3A_928] : memref<2x16x768xf32, #tpu.memory_space<vmem>> -> memref<1x16x768xf32, #tpu.memory_space<vmem>>
          %dma_wait3A_930 = tpu.memref_squeeze %dma_wait3A_929 : memref<1x16x768xf32, #tpu.memory_space<vmem>> -> memref<16x768xf32, #tpu.memory_space<vmem>>
          %dma_wait3A_931 = arith.constant 0 : i32
          %dma_wait3A_932 = tpu.memref_slice %arg2[%mul3A_916, %dma_wait3A_931] : memref<32768x768xf32, #tpu.memory_space<hbm>> -> memref<16x768xf32, #tpu.memory_space<hbm>>
          tpu.wait_dma2 semaphore(%dma_wait3A_926 : memref<!tpu.dma_semaphore, #tpu.memory_space<semaphore_mem>>) src(%dma_wait3A_932 : memref<16x768xf32, #tpu.memory_space<hbm>>) dst(%dma_wait3A_930 : memref<16x768xf32, #tpu.memory_space<vmem>>)
          "tpu.trace_stop"() : () -> ()
        } else {
        }
        %mul3A_501 = arith.constant 2 : i32
        %mul3A_502 = arith.muli %mul3A_501, %add3A_300 : i32
        %add3A_503 = arith.constant 1 : i32
        %add3A_504 = arith.addi %mul3A_502, %add3A_503 : i32
        %mul3A_505 = arith.constant 512 : i32
        %mul3A_506 = arith.muli %add3A_504, %mul3A_505 : i32
        %add3A_507 = arith.addi %mul3A_506, %add3A_298 : i32
        %mul3A_508 = arith.constant 2 : i32
        %mul3A_509 = arith.muli %mul3A_508, %add3A_318 : i32
        %add3A_510 = arith.constant 1 : i32
        %add3A_511 = arith.addi %mul3A_509, %add3A_510 : i32
        %mul3A_512 = arith.constant 512 : i32
        %mul3A_513 = arith.muli %add3A_511, %mul3A_512 : i32
        %add3A_514 = arith.addi %mul3A_513, %add3A_316 : i32
        %ne3A_515 = arith.cmpi ne, %add3A_507, %add3A_514 : i32
        %or3A_516 = arith.constant false
        %or3A_517 = arith.ori %or3A_516, %ne3A_515 : i1
        %or3A_518 = arith.constant false
        %or3A_519 = arith.ori %or3A_517, %or3A_518 : i1
        %or3A_520 = arith.ori %or3A_519, %eq3A_295 : i1
        %convert_element_type3A_521 = arith.extui %or3A_520 : i1 to i32
        %cond3A_522 = arith.constant 0 : i32
        %cond3A_523 = arith.cmpi ne, %convert_element_type3A_521, %cond3A_522 : i32
        scf.if %cond3A_523 {
          "tpu.trace_start"() <{level = 10 : i32, message = "ep_wait_in"}> : () -> ()
          %mul3A_908 = arith.constant 2 : i32
          %mul3A_909 = arith.muli %mul3A_908, %add3A_300 : i32
          %add3A_910 = arith.constant 1 : i32
          %add3A_911 = arith.addi %mul3A_909, %add3A_910 : i32
          %mul3A_912 = arith.constant 512 : i32
          %mul3A_913 = arith.muli %add3A_911, %mul3A_912 : i32
          %add3A_914 = arith.addi %mul3A_913, %add3A_298 : i32
          %mul3A_915 = arith.constant 16 : i32
          %mul3A_916 = arith.muli %mul3A_915, %add3A_914 : i32
          %rem3A_917 = arith.constant 2 : i32
          %rem3A_918 = arith.remui %scan3A_285, %rem3A_917 : i32
          %dma_wait3A_919 = arith.constant 0 : i32
          %dma_wait3A_920 = arith.constant 0 : i32
          %dma_wait3A_921 = tpu.memref_slice %run_scoped3A_8[%rem3A_918, %dma_wait3A_919, %dma_wait3A_920] : memref<2x16x768xf32, #tpu.memory_space<vmem>> -> memref<1x16x768xf32, #tpu.memory_space<vmem>>
          %dma_wait3A_922 = tpu.memref_squeeze %dma_wait3A_921 : memref<1x16x768xf32, #tpu.memory_space<vmem>> -> memref<16x768xf32, #tpu.memory_space<vmem>>
          %dma_wait3A_923 = arith.constant 0 : i32
          %dma_wait3A_924 = tpu.memref_slice %arg2[%mul3A_916, %dma_wait3A_923] : memref<32768x768xf32, #tpu.memory_space<hbm>> -> memref<16x768xf32, #tpu.memory_space<hbm>>
          %dma_wait3A_925 = tpu.memref_slice %run_scoped3A_9[%rem3A_918] : memref<2x!tpu.dma_semaphore, #tpu.memory_space<semaphore_mem>> -> memref<1x!tpu.dma_semaphore, #tpu.memory_space<semaphore_mem>>
          %dma_wait3A_926 = tpu.memref_squeeze %dma_wait3A_925 : memref<1x!tpu.dma_semaphore, #tpu.memory_space<semaphore_mem>> -> memref<!tpu.dma_semaphore, #tpu.memory_space<semaphore_mem>>
          %dma_wait3A_927 = arith.constant 0 : i32
          %dma_wait3A_928 = arith.constant 0 : i32
          %dma_wait3A_929 = tpu.memref_slice %run_scoped3A_8[%rem3A_918, %dma_wait3A_927, %dma_wait3A_928] : memref<2x16x768xf32, #tpu.memory_space<vmem>> -> memref<1x16x768xf32, #tpu.memory_space<vmem>>
          %dma_wait3A_930 = tpu.memref_squeeze %dma_wait3A_929 : memref<1x16x768xf32, #tpu.memory_space<vmem>> -> memref<16x768xf32, #tpu.memory_space<vmem>>
          %dma_wait3A_931 = arith.constant 0 : i32
          %dma_wait3A_932 = tpu.memref_slice %arg2[%mul3A_916, %dma_wait3A_931] : memref<32768x768xf32, #tpu.memory_space<hbm>> -> memref<16x768xf32, #tpu.memory_space<hbm>>
          tpu.wait_dma2 semaphore(%dma_wait3A_926 : memref<!tpu.dma_semaphore, #tpu.memory_space<semaphore_mem>>) src(%dma_wait3A_932 : memref<16x768xf32, #tpu.memory_space<hbm>>) dst(%dma_wait3A_930 : memref<16x768xf32, #tpu.memory_space<vmem>>)
          "tpu.trace_stop"() : () -> ()
        } else {
        }
        %ne3A_524 = arith.cmpi ne, %add3A_298, %add3A_316 : i32
        %or3A_525 = arith.constant false
        %or3A_526 = arith.ori %or3A_525, %ne3A_524 : i1
        %or3A_527 = arith.constant false
        %or3A_528 = arith.ori %or3A_526, %or3A_527 : i1
        %or3A_529 = arith.ori %or3A_528, %eq3A_295 : i1
        %convert_element_type3A_530 = arith.extui %or3A_529 : i1 to i32
        %cond3A_531 = arith.constant 0 : i32
        %cond3A_532 = arith.cmpi ne, %convert_element_type3A_530, %cond3A_531 : i32
        scf.if %cond3A_532 {
          "tpu.trace_start"() <{level = 10 : i32, message = "ep_wait_in"}> : () -> ()
          %mul3A_908 = arith.constant 16 : i32
          %mul3A_909 = arith.muli %mul3A_908, %add3A_298 : i32
          %rem3A_910 = arith.constant 2 : i32
          %rem3A_911 = arith.remui %scan3A_287, %rem3A_910 : i32
          %dma_wait3A_912 = arith.constant 0 : i32
          %dma_wait3A_913 = arith.constant 0 : i32
          %dma_wait3A_914 = tpu.memref_slice %run_scoped3A_10[%rem3A_911, %dma_wait3A_912, %dma_wait3A_913] : memref<2x16x768xf32, #tpu.memory_space<vmem>> -> memref<1x16x768xf32, #tpu.memory_space<vmem>>
          %dma_wait3A_915 = tpu.memref_squeeze %dma_wait3A_914 : memref<1x16x768xf32, #tpu.memory_space<vmem>> -> memref<16x768xf32, #tpu.memory_space<vmem>>
          %dma_wait3A_916 = arith.constant 0 : i32
          %dma_wait3A_917 = tpu.memref_slice %arg3[%mul3A_909, %dma_wait3A_916] : memref<8192x768xf32, #tpu.memory_space<hbm>> -> memref<16x768xf32, #tpu.memory_space<hbm>>
          %dma_wait3A_918 = tpu.memref_slice %run_scoped3A_11[%rem3A_911] : memref<2x!tpu.dma_semaphore, #tpu.memory_space<semaphore_mem>> -> memref<1x!tpu.dma_semaphore, #tpu.memory_space<semaphore_mem>>
          %dma_wait3A_919 = tpu.memref_squeeze %dma_wait3A_918 : memref<1x!tpu.dma_semaphore, #tpu.memory_space<semaphore_mem>> -> memref<!tpu.dma_semaphore, #tpu.memory_space<semaphore_mem>>
          %dma_wait3A_920 = arith.constant 0 : i32
          %dma_wait3A_921 = arith.constant 0 : i32
          %dma_wait3A_922 = tpu.memref_slice %run_scoped3A_10[%rem3A_911, %dma_wait3A_920, %dma_wait3A_921] : memref<2x16x768xf32, #tpu.memory_space<vmem>> -> memref<1x16x768xf32, #tpu.memory_space<vmem>>
          %dma_wait3A_923 = tpu.memref_squeeze %dma_wait3A_922 : memref<1x16x768xf32, #tpu.memory_space<vmem>> -> memref<16x768xf32, #tpu.memory_space<vmem>>
          %dma_wait3A_924 = arith.constant 0 : i32
          %dma_wait3A_925 = tpu.memref_slice %arg3[%mul3A_909, %dma_wait3A_924] : memref<8192x768xf32, #tpu.memory_space<hbm>> -> memref<16x768xf32, #tpu.memory_space<hbm>>
          tpu.wait_dma2 semaphore(%dma_wait3A_919 : memref<!tpu.dma_semaphore, #tpu.memory_space<semaphore_mem>>) src(%dma_wait3A_925 : memref<16x768xf32, #tpu.memory_space<hbm>>) dst(%dma_wait3A_923 : memref<16x768xf32, #tpu.memory_space<vmem>>)
          "tpu.trace_stop"() : () -> ()
        } else {
        }
        %mul3A_533 = arith.constant 2 : i32
        %mul3A_534 = arith.muli %mul3A_533, %add3A_300 : i32
        %add3A_535 = arith.constant 0 : i32
        %add3A_536 = arith.addi %mul3A_534, %add3A_535 : i32
        %mul3A_537 = arith.constant 512 : i32
        %mul3A_538 = arith.muli %add3A_536, %mul3A_537 : i32
        %add3A_539 = arith.addi %mul3A_538, %add3A_298 : i32
        %mul3A_540 = arith.constant 2 : i32
        %mul3A_541 = arith.muli %mul3A_540, %add3A_318 : i32
        %add3A_542 = arith.constant 0 : i32
        %add3A_543 = arith.addi %mul3A_541, %add3A_542 : i32
        %mul3A_544 = arith.constant 512 : i32
        %mul3A_545 = arith.muli %add3A_543, %mul3A_544 : i32
        %add3A_546 = arith.addi %mul3A_545, %add3A_316 : i32
        %ne3A_547 = arith.cmpi ne, %add3A_539, %add3A_546 : i32
        %or3A_548 = arith.constant false
        %or3A_549 = arith.ori %or3A_548, %ne3A_547 : i1
        %or3A_550 = arith.constant false
        %or3A_551 = arith.ori %or3A_549, %or3A_550 : i1
        %or3A_552 = arith.ori %or3A_551, %eq3A_295 : i1
        %convert_element_type3A_553 = arith.extui %or3A_552 : i1 to i32
        %cond3A_554 = arith.constant 0 : i32
        %cond3A_555 = arith.cmpi ne, %convert_element_type3A_553, %cond3A_554 : i32
        scf.if %cond3A_555 {
        } else {
        }
        %mul3A_556 = arith.constant 2 : i32
        %mul3A_557 = arith.muli %mul3A_556, %add3A_300 : i32
        %add3A_558 = arith.constant 1 : i32
        %add3A_559 = arith.addi %mul3A_557, %add3A_558 : i32
        %mul3A_560 = arith.constant 512 : i32
        %mul3A_561 = arith.muli %add3A_559, %mul3A_560 : i32
        %add3A_562 = arith.addi %mul3A_561, %add3A_298 : i32
        %mul3A_563 = arith.constant 2 : i32
        %mul3A_564 = arith.muli %mul3A_563, %add3A_318 : i32
        %add3A_565 = arith.constant 1 : i32
        %add3A_566 = arith.addi %mul3A_564, %add3A_565 : i32
        %mul3A_567 = arith.constant 512 : i32
        %mul3A_568 = arith.muli %add3A_566, %mul3A_567 : i32
        %add3A_569 = arith.addi %mul3A_568, %add3A_316 : i32
        %ne3A_570 = arith.cmpi ne, %add3A_562, %add3A_569 : i32
        %or3A_571 = arith.constant false
        %or3A_572 = arith.ori %or3A_571, %ne3A_570 : i1
        %or3A_573 = arith.constant false
        %or3A_574 = arith.ori %or3A_572, %or3A_573 : i1
        %or3A_575 = arith.ori %or3A_574, %eq3A_295 : i1
        %convert_element_type3A_576 = arith.extui %or3A_575 : i1 to i32
        %cond3A_577 = arith.constant 0 : i32
        %cond3A_578 = arith.cmpi ne, %convert_element_type3A_576, %cond3A_577 : i32
        scf.if %cond3A_578 {
        } else {
        }
        %rem3A_579 = arith.constant 2 : i32
        %rem3A_580 = arith.remui %scan3A_283, %rem3A_579 : i32
        %rem3A_581 = arith.constant 2 : i32
        %rem3A_582 = arith.remui %scan3A_285, %rem3A_581 : i32
        %rem3A_583 = arith.constant 2 : i32
        %rem3A_584 = arith.remui %scan3A_287, %rem3A_583 : i32
        %rem3A_585 = arith.constant 2 : i32
        %rem3A_586 = arith.remui %scan3A_288, %rem3A_585 : i32
        %rem3A_587 = arith.constant 2 : i32
        %rem3A_588 = arith.remui %scan3A_290, %rem3A_587 : i32
        "tpu.trace_start"() <{level = 10 : i32, message = "ep_run_kernel"}> : () -> ()
        %scan3A_589 = arith.constant 0 : i32
        %scan3A_590 = arith.constant 16 : i32
        %scan3A_591 = arith.addi %scan3A_589, %scan3A_590 : i32
        %scan3A_592 = arith.constant 1 : i32
        scf.for %scan3A_908 = %scan3A_589 to %scan3A_591 step %scan3A_592  : i32 {
          %mul3A_909 = arith.constant 1 : i32
          %mul3A_910 = arith.muli %scan3A_908, %mul3A_909 : i32
          %add3A_911 = arith.constant 0 : i32
          %add3A_912 = arith.addi %add3A_911, %mul3A_910 : i32
          %parallel_loop3A = arith.constant 0 : i32
          %parallel_loop3A_913 = arith.constant 768 : i32
          %parallel_loop3A_914 = arith.constant 16 : i32
          scf.for %parallel_loop3A_915 = %parallel_loop3A to %parallel_loop3A_913 step %parallel_loop3A_914  : i32 {
            %parallel_loop3A_916 = arith.constant 0 : i32
            %parallel_loop3A_917 = arith.constant 0 : i32
            %parallel_loop3A_918 = tpu.memref_slice %run_scoped3A_10[%rem3A_584, %parallel_loop3A_916, %parallel_loop3A_917] : memref<2x16x768xf32, #tpu.memory_space<vmem>> -> memref<1x16x768xf32, #tpu.memory_space<vmem>>
            %parallel_loop3A_919 = tpu.memref_squeeze %parallel_loop3A_918 : memref<1x16x768xf32, #tpu.memory_space<vmem>> -> memref<16x768xf32, #tpu.memory_space<vmem>>
            %parallel_loop3A_920 = arith.index_cast %add3A_912 : i32 to index
            %parallel_loop3A_921 = arith.index_cast %parallel_loop3A_915 : i32 to index
            %parallel_loop3A_922 = tpu.vector_load %parallel_loop3A_919[%parallel_loop3A_920, %parallel_loop3A_921] {strides = array<i32>} : memref<16x768xf32, #tpu.memory_space<vmem>>, vector<1x16xf32>,
            %parallel_loop3A_923 = vector.shape_cast %parallel_loop3A_922 : vector<1x16xf32> to vector<1x16xf32>
            %parallel_loop3A_924 = arith.constant 0 : i32
            %parallel_loop3A_925 = arith.constant 0 : i32
            %parallel_loop3A_926 = tpu.memref_slice %run_scoped3A[%rem3A_580, %parallel_loop3A_924, %parallel_loop3A_925] : memref<2x16x768xf32, #tpu.memory_space<vmem>> -> memref<1x16x768xf32, #tpu.memory_space<vmem>>
            %parallel_loop3A_927 = tpu.memref_squeeze %parallel_loop3A_926 : memref<1x16x768xf32, #tpu.memory_space<vmem>> -> memref<16x768xf32, #tpu.memory_space<vmem>>
            %parallel_loop3A_928 = arith.index_cast %add3A_912 : i32 to index
            %parallel_loop3A_929 = arith.index_cast %parallel_loop3A_915 : i32 to index
            %parallel_loop3A_930 = tpu.vector_load %parallel_loop3A_927[%parallel_loop3A_928, %parallel_loop3A_929] {strides = array<i32>} : memref<16x768xf32, #tpu.memory_space<vmem>>, vector<1x16xf32>,
            %parallel_loop3A_931 = vector.shape_cast %parallel_loop3A_930 : vector<1x16xf32> to vector<1x16xf32>
            %parallel_loop3A_932 = arith.addf %parallel_loop3A_931, %parallel_loop3A_923 : vector<1x16xf32>
            %parallel_loop3A_933 = arith.constant 0 : i32
            %parallel_loop3A_934 = arith.constant 0 : i32
            %parallel_loop3A_935 = tpu.memref_slice %run_scoped3A_12[%rem3A_586, %parallel_loop3A_933, %parallel_loop3A_934] : memref<2x16x768xf32, #tpu.memory_space<vmem>> -> memref<1x16x768xf32, #tpu.memory_space<vmem>>
            %parallel_loop3A_936 = tpu.memref_squeeze %parallel_loop3A_935 : memref<1x16x768xf32, #tpu.memory_space<vmem>> -> memref<16x768xf32, #tpu.memory_space<vmem>>
            %parallel_loop3A_937 = arith.index_cast %add3A_912 : i32 to index
            %parallel_loop3A_938 = arith.index_cast %parallel_loop3A_915 : i32 to index
            %parallel_loop3A_939 = tpu.vector_load %parallel_loop3A_936[%parallel_loop3A_937, %parallel_loop3A_938] {strides = array<i32>} : memref<16x768xf32, #tpu.memory_space<vmem>>, vector<1x16xf32>,
            %parallel_loop3A_940 = vector.shape_cast %parallel_loop3A_939 : vector<1x16xf32> to vector<1x16xf32>
            %parallel_loop3A_941 = vector.shape_cast %parallel_loop3A_932 : vector<1x16xf32> to vector<1x16xf32>
            tpu.vector_store %parallel_loop3A_936[%parallel_loop3A_937, %parallel_loop3A_938], %parallel_loop3A_941 {strides = array<i32>} : memref<16x768xf32, #tpu.memory_space<vmem>>, vector<1x16xf32>,
            %parallel_loop3A_942 = arith.constant 0 : i32
            %parallel_loop3A_943 = arith.constant 0 : i32
            %parallel_loop3A_944 = tpu.memref_slice %run_scoped3A_8[%rem3A_582, %parallel_loop3A_942, %parallel_loop3A_943] : memref<2x16x768xf32, #tpu.memory_space<vmem>> -> memref<1x16x768xf32, #tpu.memory_space<vmem>>
            %parallel_loop3A_945 = tpu.memref_squeeze %parallel_loop3A_944 : memref<1x16x768xf32, #tpu.memory_space<vmem>> -> memref<16x768xf32, #tpu.memory_space<vmem>>
            %parallel_loop3A_946 = arith.index_cast %add3A_912 : i32 to index
            %parallel_loop3A_947 = arith.index_cast %parallel_loop3A_915 : i32 to index
            %parallel_loop3A_948 = tpu.vector_load %parallel_loop3A_945[%parallel_loop3A_946, %parallel_loop3A_947] {strides = array<i32>} : memref<16x768xf32, #tpu.memory_space<vmem>>, vector<1x16xf32>,
            %parallel_loop3A_949 = vector.shape_cast %parallel_loop3A_948 : vector<1x16xf32> to vector<1x16xf32>
            %parallel_loop3A_950 = arith.addf %parallel_loop3A_949, %parallel_loop3A_923 : vector<1x16xf32>
            %parallel_loop3A_951 = arith.constant 0 : i32
            %parallel_loop3A_952 = arith.constant 0 : i32
            %parallel_loop3A_953 = tpu.memref_slice %run_scoped3A_14[%rem3A_588, %parallel_loop3A_951, %parallel_loop3A_952] : memref<2x16x768xf32, #tpu.memory_space<vmem>> -> memref<1x16x768xf32, #tpu.memory_space<vmem>>
            %parallel_loop3A_954 = tpu.memref_squeeze %parallel_loop3A_953 : memref<1x16x768xf32, #tpu.memory_space<vmem>> -> memref<16x768xf32, #tpu.memory_space<vmem>>
            %parallel_loop3A_955 = arith.index_cast %add3A_912 : i32 to index
            %parallel_loop3A_956 = arith.index_cast %parallel_loop3A_915 : i32 to index
            %parallel_loop3A_957 = tpu.vector_load %parallel_loop3A_954[%parallel_loop3A_955, %parallel_loop3A_956] {strides = array<i32>} : memref<16x768xf32, #tpu.memory_space<vmem>>, vector<1x16xf32>,
            %parallel_loop3A_958 = vector.shape_cast %parallel_loop3A_957 : vector<1x16xf32> to vector<1x16xf32>
            %parallel_loop3A_959 = vector.shape_cast %parallel_loop3A_950 : vector<1x16xf32> to vector<1x16xf32>
            tpu.vector_store %parallel_loop3A_954[%parallel_loop3A_955, %parallel_loop3A_956], %parallel_loop3A_959 {strides = array<i32>} : memref<16x768xf32, #tpu.memory_space<vmem>>, vector<1x16xf32>,
          } {sc.loop_unroll_factor = 4 : i64, sc.parallel_access}
        }
        %scan3A_593 = arith.constant 16 : i32
        "tpu.trace_stop"() : () -> ()
        %mul3A_594 = arith.constant 2 : i32
        %mul3A_595 = arith.muli %mul3A_594, %add3A_300 : i32
        %add3A_596 = arith.constant 0 : i32
        %add3A_597 = arith.addi %mul3A_595, %add3A_596 : i32
        %mul3A_598 = arith.constant 512 : i32
        %mul3A_599 = arith.muli %add3A_597, %mul3A_598 : i32
        %add3A_600 = arith.addi %mul3A_599, %add3A_298 : i32
        %mul3A_601 = arith.constant 2 : i32
        %mul3A_602 = arith.muli %mul3A_601, %add3A_336 : i32
        %add3A_603 = arith.constant 0 : i32
        %add3A_604 = arith.addi %mul3A_602, %add3A_603 : i32
        %mul3A_605 = arith.constant 512 : i32
        %mul3A_606 = arith.muli %add3A_604, %mul3A_605 : i32
        %add3A_607 = arith.addi %mul3A_606, %add3A_334 : i32
        %ne3A_608 = arith.cmpi ne, %add3A_600, %add3A_607 : i32
        %or3A_609 = arith.constant false
        %or3A_610 = arith.ori %or3A_609, %ne3A_608 : i1
        %or3A_611 = arith.constant false
        %or3A_612 = arith.ori %or3A_610, %or3A_611 : i1
        %or3A_613 = arith.ori %or3A_612, %eq3A_297 : i1
        %convert_element_type3A_614 = arith.extui %or3A_613 : i1 to i32
        %cond3A_615 = arith.constant 0 : i32
        %cond3A_616 = arith.cmpi ne, %convert_element_type3A_614, %cond3A_615 : i32
        scf.if %cond3A_616 {
        } else {
        }
        %and3A_617 = arith.constant false
        %and3A_618 = arith.andi %or3A_613, %and3A_617 : i1
        %mul3A_619 = arith.constant 2 : i32
        %mul3A_620 = arith.muli %mul3A_619, %add3A_300 : i32
        %add3A_621 = arith.constant 1 : i32
        %add3A_622 = arith.addi %mul3A_620, %add3A_621 : i32
        %mul3A_623 = arith.constant 512 : i32
        %mul3A_624 = arith.muli %add3A_622, %mul3A_623 : i32
        %add3A_625 = arith.addi %mul3A_624, %add3A_298 : i32
        %mul3A_626 = arith.constant 2 : i32
        %mul3A_627 = arith.muli %mul3A_626, %add3A_336 : i32
        %add3A_628 = arith.constant 1 : i32
        %add3A_629 = arith.addi %mul3A_627, %add3A_628 : i32
        %mul3A_630 = arith.constant 512 : i32
        %mul3A_631 = arith.muli %add3A_629, %mul3A_630 : i32
        %add3A_632 = arith.addi %mul3A_631, %add3A_334 : i32
        %ne3A_633 = arith.cmpi ne, %add3A_625, %add3A_632 : i32
        %or3A_634 = arith.constant false
        %or3A_635 = arith.ori %or3A_634, %ne3A_633 : i1
        %or3A_636 = arith.constant false
        %or3A_637 = arith.ori %or3A_635, %or3A_636 : i1
        %or3A_638 = arith.ori %or3A_637, %eq3A_297 : i1
        %convert_element_type3A_639 = arith.extui %or3A_638 : i1 to i32
        %cond3A_640 = arith.constant 0 : i32
        %cond3A_641 = arith.cmpi ne, %convert_element_type3A_639, %cond3A_640 : i32
        scf.if %cond3A_641 {
        } else {
        }
        %and3A_642 = arith.constant false
        %and3A_643 = arith.andi %or3A_638, %and3A_642 : i1
        %ne3A_644 = arith.cmpi ne, %add3A_298, %add3A_334 : i32
        %or3A_645 = arith.constant false
        %or3A_646 = arith.ori %or3A_645, %ne3A_644 : i1
        %or3A_647 = arith.constant false
        %or3A_648 = arith.ori %or3A_646, %or3A_647 : i1
        %or3A_649 = arith.ori %or3A_648, %eq3A_297 : i1
        %convert_element_type3A_650 = arith.extui %or3A_649 : i1 to i32
        %cond3A_651 = arith.constant 0 : i32
        %cond3A_652 = arith.cmpi ne, %convert_element_type3A_650, %cond3A_651 : i32
        scf.if %cond3A_652 {
        } else {
        }
        %and3A_653 = arith.constant false
        %and3A_654 = arith.andi %or3A_649, %and3A_653 : i1
        %mul3A_655 = arith.constant 2 : i32
        %mul3A_656 = arith.muli %mul3A_655, %add3A_300 : i32
        %add3A_657 = arith.constant 0 : i32
        %add3A_658 = arith.addi %mul3A_656, %add3A_657 : i32
        %mul3A_659 = arith.constant 512 : i32
        %mul3A_660 = arith.muli %add3A_658, %mul3A_659 : i32
        %add3A_661 = arith.addi %mul3A_660, %add3A_298 : i32
        %mul3A_662 = arith.constant 2 : i32
        %mul3A_663 = arith.muli %mul3A_662, %add3A_336 : i32
        %add3A_664 = arith.constant 0 : i32
        %add3A_665 = arith.addi %mul3A_663, %add3A_664 : i32
        %mul3A_666 = arith.constant 512 : i32
        %mul3A_667 = arith.muli %add3A_665, %mul3A_666 : i32
        %add3A_668 = arith.addi %mul3A_667, %add3A_334 : i32
        %ne3A_669 = arith.cmpi ne, %add3A_661, %add3A_668 : i32
        %or3A_670 = arith.constant false
        %or3A_671 = arith.ori %or3A_670, %ne3A_669 : i1
        %or3A_672 = arith.constant false
        %or3A_673 = arith.ori %or3A_671, %or3A_672 : i1
        %or3A_674 = arith.ori %or3A_673, %eq3A_297 : i1
        %convert_element_type3A_675 = arith.extui %or3A_674 : i1 to i32
        %cond3A_676 = arith.constant 0 : i32
        %cond3A_677 = arith.cmpi ne, %convert_element_type3A_675, %cond3A_676 : i32
        scf.if %cond3A_677 {
          "tpu.trace_start"() <{level = 10 : i32, message = "ep_copy_out"}> : () -> ()
          %rem3A_908 = arith.constant 2 : i32
          %rem3A_909 = arith.remui %scan3A_288, %rem3A_908 : i32
          %mul3A_910 = arith.constant 2 : i32
          %mul3A_911 = arith.muli %mul3A_910, %add3A_300 : i32
          %add3A_912 = arith.constant 0 : i32
          %add3A_913 = arith.addi %mul3A_911, %add3A_912 : i32
          %mul3A_914 = arith.constant 512 : i32
          %mul3A_915 = arith.muli %add3A_913, %mul3A_914 : i32
          %add3A_916 = arith.addi %mul3A_915, %add3A_298 : i32
          %mul3A_917 = arith.constant 16 : i32
          %mul3A_918 = arith.muli %mul3A_917, %add3A_916 : i32
          %dma_start3A_919 = arith.constant 0 : i32
          %dma_start3A_920 = arith.constant 0 : i32
          %dma_start3A_921 = tpu.memref_slice %run_scoped3A_12[%rem3A_909, %dma_start3A_919, %dma_start3A_920] : memref<2x16x768xf32, #tpu.memory_space<vmem>> -> memref<1x16x768xf32, #tpu.memory_space<vmem>>
          %dma_start3A_922 = tpu.memref_squeeze %dma_start3A_921 : memref<1x16x768xf32, #tpu.memory_space<vmem>> -> memref<16x768xf32, #tpu.memory_space<vmem>>
          %dma_start3A_923 = arith.constant 0 : i32
          %dma_start3A_924 = tpu.memref_slice %arg4[%mul3A_918, %dma_start3A_923] : memref<32768x768xf32, #tpu.memory_space<hbm>> -> memref<16x768xf32, #tpu.memory_space<hbm>>
          %dma_start3A_925 = tpu.memref_slice %run_scoped3A_13[%rem3A_909] : memref<2x!tpu.dma_semaphore, #tpu.memory_space<semaphore_mem>> -> memref<1x!tpu.dma_semaphore, #tpu.memory_space<semaphore_mem>>
          %dma_start3A_926 = tpu.memref_squeeze %dma_start3A_925 : memref<1x!tpu.dma_semaphore, #tpu.memory_space<semaphore_mem>> -> memref<!tpu.dma_semaphore, #tpu.memory_space<semaphore_mem>>
          %dma_start3A_927 = arith.constant 0 : i32
          %dma_start3A_928 = tpu.memref_slice %arg4[%mul3A_918, %dma_start3A_927] : memref<32768x768xf32, #tpu.memory_space<hbm>> -> memref<16x768xf32, #tpu.memory_space<hbm>>
          %dma_start3A_929 = arith.constant 0 : i32
          %dma_start3A_930 = arith.constant 0 : i32
          %dma_start3A_931 = tpu.memref_slice %run_scoped3A_12[%rem3A_909, %dma_start3A_929, %dma_start3A_930] : memref<2x16x768xf32, #tpu.memory_space<vmem>> -> memref<1x16x768xf32, #tpu.memory_space<vmem>>
          %dma_start3A_932 = tpu.memref_squeeze %dma_start3A_931 : memref<1x16x768xf32, #tpu.memory_space<vmem>> -> memref<16x768xf32, #tpu.memory_space<vmem>>
          tpu.enqueue_dma source(%dma_start3A_932 : memref<16x768xf32, #tpu.memory_space<vmem>>) target(%dma_start3A_928 : memref<16x768xf32, #tpu.memory_space<hbm>>) target_semaphore(%dma_start3A_926 : memref<!tpu.dma_semaphore, #tpu.memory_space<semaphore_mem>>)
          "tpu.trace_stop"() : () -> ()
        } else {
        }
        %and3A_678 = arith.constant true
        %and3A_679 = arith.andi %or3A_674, %and3A_678 : i1
        %add3A_680 = arith.constant 1 : i32
        %add3A_681 = arith.addi %scan3A_288, %add3A_680 : i32
        %select_n3A_682 = arith.select %and3A_679, %add3A_681, %scan3A_288 : i32
        %mul3A_683 = arith.constant 2 : i32
        %mul3A_684 = arith.muli %mul3A_683, %add3A_300 : i32
        %add3A_685 = arith.constant 1 : i32
        %add3A_686 = arith.addi %mul3A_684, %add3A_685 : i32
        %mul3A_687 = arith.constant 512 : i32
        %mul3A_688 = arith.muli %add3A_686, %mul3A_687 : i32
        %add3A_689 = arith.addi %mul3A_688, %add3A_298 : i32
        %mul3A_690 = arith.constant 2 : i32
        %mul3A_691 = arith.muli %mul3A_690, %add3A_336 : i32
        %add3A_692 = arith.constant 1 : i32
        %add3A_693 = arith.addi %mul3A_691, %add3A_692 : i32
        %mul3A_694 = arith.constant 512 : i32
        %mul3A_695 = arith.muli %add3A_693, %mul3A_694 : i32
        %add3A_696 = arith.addi %mul3A_695, %add3A_334 : i32
        %ne3A_697 = arith.cmpi ne, %add3A_689, %add3A_696 : i32
        %or3A_698 = arith.constant false
        %or3A_699 = arith.ori %or3A_698, %ne3A_697 : i1
        %or3A_700 = arith.constant false
        %or3A_701 = arith.ori %or3A_699, %or3A_700 : i1
        %or3A_702 = arith.ori %or3A_701, %eq3A_297 : i1
        %convert_element_type3A_703 = arith.extui %or3A_702 : i1 to i32
        %cond3A_704 = arith.constant 0 : i32
        %cond3A_705 = arith.cmpi ne, %convert_element_type3A_703, %cond3A_704 : i32
        scf.if %cond3A_705 {
          "tpu.trace_start"() <{level = 10 : i32, message = "ep_copy_out"}> : () -> ()
          %rem3A_908 = arith.constant 2 : i32
          %rem3A_909 = arith.remui %scan3A_290, %rem3A_908 : i32
          %mul3A_910 = arith.constant 2 : i32
          %mul3A_911 = arith.muli %mul3A_910, %add3A_300 : i32
          %add3A_912 = arith.constant 1 : i32
          %add3A_913 = arith.addi %mul3A_911, %add3A_912 : i32
          %mul3A_914 = arith.constant 512 : i32
          %mul3A_915 = arith.muli %add3A_913, %mul3A_914 : i32
          %add3A_916 = arith.addi %mul3A_915, %add3A_298 : i32
          %mul3A_917 = arith.constant 16 : i32
          %mul3A_918 = arith.muli %mul3A_917, %add3A_916 : i32
          %dma_start3A_919 = arith.constant 0 : i32
          %dma_start3A_920 = arith.constant 0 : i32
          %dma_start3A_921 = tpu.memref_slice %run_scoped3A_14[%rem3A_909, %dma_start3A_919, %dma_start3A_920] : memref<2x16x768xf32, #tpu.memory_space<vmem>> -> memref<1x16x768xf32, #tpu.memory_space<vmem>>
          %dma_start3A_922 = tpu.memref_squeeze %dma_start3A_921 : memref<1x16x768xf32, #tpu.memory_space<vmem>> -> memref<16x768xf32, #tpu.memory_space<vmem>>
          %dma_start3A_923 = arith.constant 0 : i32
          %dma_start3A_924 = tpu.memref_slice %arg4[%mul3A_918, %dma_start3A_923] : memref<32768x768xf32, #tpu.memory_space<hbm>> -> memref<16x768xf32, #tpu.memory_space<hbm>>
          %dma_start3A_925 = tpu.memref_slice %run_scoped3A_15[%rem3A_909] : memref<2x!tpu.dma_semaphore, #tpu.memory_space<semaphore_mem>> -> memref<1x!tpu.dma_semaphore, #tpu.memory_space<semaphore_mem>>
          %dma_start3A_926 = tpu.memref_squeeze %dma_start3A_925 : memref<1x!tpu.dma_semaphore, #tpu.memory_space<semaphore_mem>> -> memref<!tpu.dma_semaphore, #tpu.memory_space<semaphore_mem>>
          %dma_start3A_927 = arith.constant 0 : i32
          %dma_start3A_928 = tpu.memref_slice %arg4[%mul3A_918, %dma_start3A_927] : memref<32768x768xf32, #tpu.memory_space<hbm>> -> memref<16x768xf32, #tpu.memory_space<hbm>>
          %dma_start3A_929 = arith.constant 0 : i32
          %dma_start3A_930 = arith.constant 0 : i32
          %dma_start3A_931 = tpu.memref_slice %run_scoped3A_14[%rem3A_909, %dma_start3A_929, %dma_start3A_930] : memref<2x16x768xf32, #tpu.memory_space<vmem>> -> memref<1x16x768xf32, #tpu.memory_space<vmem>>
          %dma_start3A_932 = tpu.memref_squeeze %dma_start3A_931 : memref<1x16x768xf32, #tpu.memory_space<vmem>> -> memref<16x768xf32, #tpu.memory_space<vmem>>
          tpu.enqueue_dma source(%dma_start3A_932 : memref<16x768xf32, #tpu.memory_space<vmem>>) target(%dma_start3A_928 : memref<16x768xf32, #tpu.memory_space<hbm>>) target_semaphore(%dma_start3A_926 : memref<!tpu.dma_semaphore, #tpu.memory_space<semaphore_mem>>)
          "tpu.trace_stop"() : () -> ()
        } else {
        }
        %and3A_706 = arith.constant true
        %and3A_707 = arith.andi %or3A_702, %and3A_706 : i1
        %add3A_708 = arith.constant 1 : i32
        %add3A_709 = arith.addi %scan3A_290, %add3A_708 : i32
        %select_n3A_710 = arith.select %and3A_707, %add3A_709, %scan3A_290 : i32
        %mul3A_711 = arith.constant 2 : i32
        %mul3A_712 = arith.muli %mul3A_711, %add3A_300 : i32
        %add3A_713 = arith.constant 0 : i32
        %add3A_714 = arith.addi %mul3A_712, %add3A_713 : i32
        %mul3A_715 = arith.constant 512 : i32
        %mul3A_716 = arith.muli %add3A_714, %mul3A_715 : i32
        %add3A_717 = arith.addi %mul3A_716, %add3A_298 : i32
        %mul3A_718 = arith.constant 2 : i32
        %mul3A_719 = arith.muli %mul3A_718, %add3A_318 : i32
        %add3A_720 = arith.constant 0 : i32
        %add3A_721 = arith.addi %mul3A_719, %add3A_720 : i32
        %mul3A_722 = arith.constant 512 : i32
        %mul3A_723 = arith.muli %add3A_721, %mul3A_722 : i32
        %add3A_724 = arith.addi %mul3A_723, %add3A_316 : i32
        %ne3A_725 = arith.cmpi ne, %add3A_717, %add3A_724 : i32
        %or3A_726 = arith.constant false
        %or3A_727 = arith.ori %or3A_726, %ne3A_725 : i1
        %or3A_728 = arith.constant false
        %or3A_729 = arith.ori %or3A_727, %or3A_728 : i1
        %not3A_730 = arith.constant true
        %not3A_731 = arith.xori %eq3A_295, %not3A_730 : i1
        %and3A_732 = arith.andi %or3A_729, %not3A_731 : i1
        %convert_element_type3A_733 = arith.extui %and3A_732 : i1 to i32
        %cond3A_734 = arith.constant 0 : i32
        %cond3A_735 = arith.cmpi ne, %convert_element_type3A_733, %cond3A_734 : i32
        scf.if %cond3A_735 {
        } else {
        }
        %and3A_736 = arith.constant false
        %and3A_737 = arith.andi %and3A_732, %and3A_736 : i1
        %mul3A_738 = arith.constant 2 : i32
        %mul3A_739 = arith.muli %mul3A_738, %add3A_300 : i32
        %add3A_740 = arith.constant 1 : i32
        %add3A_741 = arith.addi %mul3A_739, %add3A_740 : i32
        %mul3A_742 = arith.constant 512 : i32
        %mul3A_743 = arith.muli %add3A_741, %mul3A_742 : i32
        %add3A_744 = arith.addi %mul3A_743, %add3A_298 : i32
        %mul3A_745 = arith.constant 2 : i32
        %mul3A_746 = arith.muli %mul3A_745, %add3A_318 : i32
        %add3A_747 = arith.constant 1 : i32
        %add3A_748 = arith.addi %mul3A_746, %add3A_747 : i32
        %mul3A_749 = arith.constant 512 : i32
        %mul3A_750 = arith.muli %add3A_748, %mul3A_749 : i32
        %add3A_751 = arith.addi %mul3A_750, %add3A_316 : i32
        %ne3A_752 = arith.cmpi ne, %add3A_744, %add3A_751 : i32
        %or3A_753 = arith.constant false
        %or3A_754 = arith.ori %or3A_753, %ne3A_752 : i1
        %or3A_755 = arith.constant false
        %or3A_756 = arith.ori %or3A_754, %or3A_755 : i1
        %not3A_757 = arith.constant true
        %not3A_758 = arith.xori %eq3A_295, %not3A_757 : i1
        %and3A_759 = arith.andi %or3A_756, %not3A_758 : i1
        %convert_element_type3A_760 = arith.extui %and3A_759 : i1 to i32
        %cond3A_761 = arith.constant 0 : i32
        %cond3A_762 = arith.cmpi ne, %convert_element_type3A_760, %cond3A_761 : i32
        scf.if %cond3A_762 {
        } else {
        }
        %and3A_763 = arith.constant false
        %and3A_764 = arith.andi %and3A_759, %and3A_763 : i1
        %ne3A_765 = arith.cmpi ne, %add3A_298, %add3A_316 : i32
        %or3A_766 = arith.constant false
        %or3A_767 = arith.ori %or3A_766, %ne3A_765 : i1
        %or3A_768 = arith.constant false
        %or3A_769 = arith.ori %or3A_767, %or3A_768 : i1
        %not3A_770 = arith.constant true
        %not3A_771 = arith.xori %eq3A_295, %not3A_770 : i1
        %and3A_772 = arith.andi %or3A_769, %not3A_771 : i1
        %convert_element_type3A_773 = arith.extui %and3A_772 : i1 to i32
        %cond3A_774 = arith.constant 0 : i32
        %cond3A_775 = arith.cmpi ne, %convert_element_type3A_773, %cond3A_774 : i32
        scf.if %cond3A_775 {
        } else {
        }
        %and3A_776 = arith.constant false
        %and3A_777 = arith.andi %and3A_772, %and3A_776 : i1
        %mul3A_778 = arith.constant 2 : i32
        %mul3A_779 = arith.muli %mul3A_778, %add3A_300 : i32
        %add3A_780 = arith.constant 0 : i32
        %add3A_781 = arith.addi %mul3A_779, %add3A_780 : i32
        %mul3A_782 = arith.constant 512 : i32
        %mul3A_783 = arith.muli %add3A_781, %mul3A_782 : i32
        %add3A_784 = arith.addi %mul3A_783, %add3A_298 : i32
        %mul3A_785 = arith.constant 2 : i32
        %mul3A_786 = arith.muli %mul3A_785, %add3A_318 : i32
        %add3A_787 = arith.constant 0 : i32
        %add3A_788 = arith.addi %mul3A_786, %add3A_787 : i32
        %mul3A_789 = arith.constant 512 : i32
        %mul3A_790 = arith.muli %add3A_788, %mul3A_789 : i32
        %add3A_791 = arith.addi %mul3A_790, %add3A_316 : i32
        %ne3A_792 = arith.cmpi ne, %add3A_784, %add3A_791 : i32
        %or3A_793 = arith.constant false
        %or3A_794 = arith.ori %or3A_793, %ne3A_792 : i1
        %or3A_795 = arith.constant false
        %or3A_796 = arith.ori %or3A_794, %or3A_795 : i1
        %not3A_797 = arith.constant true
        %not3A_798 = arith.xori %eq3A_295, %not3A_797 : i1
        %and3A_799 = arith.andi %or3A_796, %not3A_798 : i1
        %convert_element_type3A_800 = arith.extui %and3A_799 : i1 to i32
        %cond3A_801 = arith.constant 0 : i32
        %cond3A_802 = arith.cmpi ne, %convert_element_type3A_800, %cond3A_801 : i32
        scf.if %cond3A_802 {
          "tpu.trace_start"() <{level = 10 : i32, message = "ep_wait_out"}> : () -> ()
          %rem3A_908 = arith.constant 2 : i32
          %rem3A_909 = arith.remui %scan3A_289, %rem3A_908 : i32
          %mul3A_910 = arith.constant 2 : i32
          %mul3A_911 = arith.muli %mul3A_910, %add3A_318 : i32
          %add3A_912 = arith.constant 0 : i32
          %add3A_913 = arith.addi %mul3A_911, %add3A_912 : i32
          %mul3A_914 = arith.constant 512 : i32
          %mul3A_915 = arith.muli %add3A_913, %mul3A_914 : i32
          %add3A_916 = arith.addi %mul3A_915, %add3A_316 : i32
          %mul3A_917 = arith.constant 16 : i32
          %mul3A_918 = arith.muli %mul3A_917, %add3A_916 : i32
          %dma_wait3A_919 = arith.constant 0 : i32
          %dma_wait3A_920 = arith.constant 0 : i32
          %dma_wait3A_921 = tpu.memref_slice %run_scoped3A_12[%rem3A_909, %dma_wait3A_919, %dma_wait3A_920] : memref<2x16x768xf32, #tpu.memory_space<vmem>> -> memref<1x16x768xf32, #tpu.memory_space<vmem>>
          %dma_wait3A_922 = tpu.memref_squeeze %dma_wait3A_921 : memref<1x16x768xf32, #tpu.memory_space<vmem>> -> memref<16x768xf32, #tpu.memory_space<vmem>>
          %dma_wait3A_923 = arith.constant 0 : i32
          %dma_wait3A_924 = tpu.memref_slice %arg4[%mul3A_918, %dma_wait3A_923] : memref<32768x768xf32, #tpu.memory_space<hbm>> -> memref<16x768xf32, #tpu.memory_space<hbm>>
          %dma_wait3A_925 = tpu.memref_slice %run_scoped3A_13[%rem3A_909] : memref<2x!tpu.dma_semaphore, #tpu.memory_space<semaphore_mem>> -> memref<1x!tpu.dma_semaphore, #tpu.memory_space<semaphore_mem>>
          %dma_wait3A_926 = tpu.memref_squeeze %dma_wait3A_925 : memref<1x!tpu.dma_semaphore, #tpu.memory_space<semaphore_mem>> -> memref<!tpu.dma_semaphore, #tpu.memory_space<semaphore_mem>>
          %dma_wait3A_927 = arith.constant 0 : i32
          %dma_wait3A_928 = tpu.memref_slice %arg4[%mul3A_918, %dma_wait3A_927] : memref<32768x768xf32, #tpu.memory_space<hbm>> -> memref<16x768xf32, #tpu.memory_space<hbm>>
          %dma_wait3A_929 = arith.constant 0 : i32
          %dma_wait3A_930 = arith.constant 0 : i32
          %dma_wait3A_931 = tpu.memref_slice %run_scoped3A_12[%rem3A_909, %dma_wait3A_929, %dma_wait3A_930] : memref<2x16x768xf32, #tpu.memory_space<vmem>> -> memref<1x16x768xf32, #tpu.memory_space<vmem>>
          %dma_wait3A_932 = tpu.memref_squeeze %dma_wait3A_931 : memref<1x16x768xf32, #tpu.memory_space<vmem>> -> memref<16x768xf32, #tpu.memory_space<vmem>>
          tpu.wait_dma2 semaphore(%dma_wait3A_926 : memref<!tpu.dma_semaphore, #tpu.memory_space<semaphore_mem>>) src(%dma_wait3A_932 : memref<16x768xf32, #tpu.memory_space<vmem>>) dst(%dma_wait3A_928 : memref<16x768xf32, #tpu.memory_space<hbm>>)
          "tpu.trace_stop"() : () -> ()
        } else {
        }
        %and3A_803 = arith.constant true
        %and3A_804 = arith.andi %and3A_799, %and3A_803 : i1
        %add3A_805 = arith.constant 1 : i32
        %add3A_806 = arith.addi %scan3A_289, %add3A_805 : i32
        %select_n3A_807 = arith.select %and3A_804, %add3A_806, %scan3A_289 : i32
        %mul3A_808 = arith.constant 2 : i32
        %mul3A_809 = arith.muli %mul3A_808, %add3A_300 : i32
        %add3A_810 = arith.constant 1 : i32
        %add3A_811 = arith.addi %mul3A_809, %add3A_810 : i32
        %mul3A_812 = arith.constant 512 : i32
        %mul3A_813 = arith.muli %add3A_811, %mul3A_812 : i32
        %add3A_814 = arith.addi %mul3A_813, %add3A_298 : i32
        %mul3A_815 = arith.constant 2 : i32
        %mul3A_816 = arith.muli %mul3A_815, %add3A_318 : i32
        %add3A_817 = arith.constant 1 : i32
        %add3A_818 = arith.addi %mul3A_816, %add3A_817 : i32
        %mul3A_819 = arith.constant 512 : i32
        %mul3A_820 = arith.muli %add3A_818, %mul3A_819 : i32
        %add3A_821 = arith.addi %mul3A_820, %add3A_316 : i32
        %ne3A_822 = arith.cmpi ne, %add3A_814, %add3A_821 : i32
        %or3A_823 = arith.constant false
        %or3A_824 = arith.ori %or3A_823, %ne3A_822 : i1
        %or3A_825 = arith.constant false
        %or3A_826 = arith.ori %or3A_824, %or3A_825 : i1
        %not3A_827 = arith.constant true
        %not3A_828 = arith.xori %eq3A_295, %not3A_827 : i1
        %and3A_829 = arith.andi %or3A_826, %not3A_828 : i1
        %convert_element_type3A_830 = arith.extui %and3A_829 : i1 to i32
        %cond3A_831 = arith.constant 0 : i32
        %cond3A_832 = arith.cmpi ne, %convert_element_type3A_830, %cond3A_831 : i32
        scf.if %cond3A_832 {
          "tpu.trace_start"() <{level = 10 : i32, message = "ep_wait_out"}> : () -> ()
          %rem3A_908 = arith.constant 2 : i32
          %rem3A_909 = arith.remui %scan3A_291, %rem3A_908 : i32
          %mul3A_910 = arith.constant 2 : i32
          %mul3A_911 = arith.muli %mul3A_910, %add3A_318 : i32
          %add3A_912 = arith.constant 1 : i32
          %add3A_913 = arith.addi %mul3A_911, %add3A_912 : i32
          %mul3A_914 = arith.constant 512 : i32
          %mul3A_915 = arith.muli %add3A_913, %mul3A_914 : i32
          %add3A_916 = arith.addi %mul3A_915, %add3A_316 : i32
          %mul3A_917 = arith.constant 16 : i32
          %mul3A_918 = arith.muli %mul3A_917, %add3A_916 : i32
          %dma_wait3A_919 = arith.constant 0 : i32
          %dma_wait3A_920 = arith.constant 0 : i32
          %dma_wait3A_921 = tpu.memref_slice %run_scoped3A_14[%rem3A_909, %dma_wait3A_919, %dma_wait3A_920] : memref<2x16x768xf32, #tpu.memory_space<vmem>> -> memref<1x16x768xf32, #tpu.memory_space<vmem>>
          %dma_wait3A_922 = tpu.memref_squeeze %dma_wait3A_921 : memref<1x16x768xf32, #tpu.memory_space<vmem>> -> memref<16x768xf32, #tpu.memory_space<vmem>>
          %dma_wait3A_923 = arith.constant 0 : i32
          %dma_wait3A_924 = tpu.memref_slice %arg4[%mul3A_918, %dma_wait3A_923] : memref<32768x768xf32, #tpu.memory_space<hbm>> -> memref<16x768xf32, #tpu.memory_space<hbm>>
          %dma_wait3A_925 = tpu.memref_slice %run_scoped3A_15[%rem3A_909] : memref<2x!tpu.dma_semaphore, #tpu.memory_space<semaphore_mem>> -> memref<1x!tpu.dma_semaphore, #tpu.memory_space<semaphore_mem>>
          %dma_wait3A_926 = tpu.memref_squeeze %dma_wait3A_925 : memref<1x!tpu.dma_semaphore, #tpu.memory_space<semaphore_mem>> -> memref<!tpu.dma_semaphore, #tpu.memory_space<semaphore_mem>>
          %dma_wait3A_927 = arith.constant 0 : i32
          %dma_wait3A_928 = tpu.memref_slice %arg4[%mul3A_918, %dma_wait3A_927] : memref<32768x768xf32, #tpu.memory_space<hbm>> -> memref<16x768xf32, #tpu.memory_space<hbm>>
          %dma_wait3A_929 = arith.constant 0 : i32
          %dma_wait3A_930 = arith.constant 0 : i32
          %dma_wait3A_931 = tpu.memref_slice %run_scoped3A_14[%rem3A_909, %dma_wait3A_929, %dma_wait3A_930] : memref<2x16x768xf32, #tpu.memory_space<vmem>> -> memref<1x16x768xf32, #tpu.memory_space<vmem>>
          %dma_wait3A_932 = tpu.memref_squeeze %dma_wait3A_931 : memref<1x16x768xf32, #tpu.memory_space<vmem>> -> memref<16x768xf32, #tpu.memory_space<vmem>>
          tpu.wait_dma2 semaphore(%dma_wait3A_926 : memref<!tpu.dma_semaphore, #tpu.memory_space<semaphore_mem>>) src(%dma_wait3A_932 : memref<16x768xf32, #tpu.memory_space<vmem>>) dst(%dma_wait3A_928 : memref<16x768xf32, #tpu.memory_space<hbm>>)
          "tpu.trace_stop"() : () -> ()
        } else {
        }
        %and3A_833 = arith.constant true
        %and3A_834 = arith.andi %and3A_829, %and3A_833 : i1
        %add3A_835 = arith.constant 1 : i32
        %add3A_836 = arith.addi %scan3A_291, %add3A_835 : i32
        %select_n3A_837 = arith.select %and3A_834, %add3A_836, %scan3A_291 : i32
        %mul3A_838 = arith.constant 2 : i32
        %mul3A_839 = arith.muli %mul3A_838, %add3A_300 : i32
        %add3A_840 = arith.constant 0 : i32
        %add3A_841 = arith.addi %mul3A_839, %add3A_840 : i32
        %mul3A_842 = arith.constant 512 : i32
        %mul3A_843 = arith.muli %add3A_841, %mul3A_842 : i32
        %add3A_844 = arith.addi %mul3A_843, %add3A_298 : i32
        %mul3A_845 = arith.constant 2 : i32
        %mul3A_846 = arith.muli %mul3A_845, %add3A_336 : i32
        %add3A_847 = arith.constant 0 : i32
        %add3A_848 = arith.addi %mul3A_846, %add3A_847 : i32
        %mul3A_849 = arith.constant 512 : i32
        %mul3A_850 = arith.muli %add3A_848, %mul3A_849 : i32
        %add3A_851 = arith.addi %mul3A_850, %add3A_334 : i32
        %ne3A_852 = arith.cmpi ne, %add3A_844, %add3A_851 : i32
        %or3A_853 = arith.constant false
        %or3A_854 = arith.ori %or3A_853, %ne3A_852 : i1
        %or3A_855 = arith.constant false
        %or3A_856 = arith.ori %or3A_854, %or3A_855 : i1
        %or3A_857 = arith.ori %or3A_856, %eq3A_297 : i1
        %add3A_858 = arith.constant 1 : i32
        %add3A_859 = arith.addi %scan3A_283, %add3A_858 : i32
        %select_n3A_860 = arith.select %or3A_857, %add3A_859, %scan3A_283 : i32
        %mul3A_861 = arith.constant 2 : i32
        %mul3A_862 = arith.muli %mul3A_861, %add3A_300 : i32
        %add3A_863 = arith.constant 1 : i32
        %add3A_864 = arith.addi %mul3A_862, %add3A_863 : i32
        %mul3A_865 = arith.constant 512 : i32
        %mul3A_866 = arith.muli %add3A_864, %mul3A_865 : i32
        %add3A_867 = arith.addi %mul3A_866, %add3A_298 : i32
        %mul3A_868 = arith.constant 2 : i32
        %mul3A_869 = arith.muli %mul3A_868, %add3A_336 : i32
        %add3A_870 = arith.constant 1 : i32
        %add3A_871 = arith.addi %mul3A_869, %add3A_870 : i32
        %mul3A_872 = arith.constant 512 : i32
        %mul3A_873 = arith.muli %add3A_871, %mul3A_872 : i32
        %add3A_874 = arith.addi %mul3A_873, %add3A_334 : i32
        %ne3A_875 = arith.cmpi ne, %add3A_867, %add3A_874 : i32
        %or3A_876 = arith.constant false
        %or3A_877 = arith.ori %or3A_876, %ne3A_875 : i1
        %or3A_878 = arith.constant false
        %or3A_879 = arith.ori %or3A_877, %or3A_878 : i1
        %or3A_880 = arith.ori %or3A_879, %eq3A_297 : i1
        %add3A_881 = arith.constant 1 : i32
        %add3A_882 = arith.addi %scan3A_285, %add3A_881 : i32
        %select_n3A_883 = arith.select %or3A_880, %add3A_882, %scan3A_285 : i32
        %ne3A_884 = arith.cmpi ne, %add3A_298, %add3A_334 : i32
        %or3A_885 = arith.constant false
        %or3A_886 = arith.ori %or3A_885, %ne3A_884 : i1
        %or3A_887 = arith.constant false
        %or3A_888 = arith.ori %or3A_886, %or3A_887 : i1
        %or3A_889 = arith.ori %or3A_888, %eq3A_297 : i1
        %add3A_890 = arith.constant 1 : i32
        %add3A_891 = arith.addi %scan3A_287, %add3A_890 : i32
        %select_n3A_892 = arith.select %or3A_889, %add3A_891, %scan3A_287 : i32
        %add3A_893 = arith.constant 1 : i32
        %add3A_894 = arith.addi %scan3A_293, %add3A_893 : i32
        %select_n3A_895 = arith.constant true
        %select_n3A_896 = arith.select %select_n3A_895, %add3A_894, %scan3A_293 : i32
        %eq3A_897 = arith.constant 2 : i32
        %eq3A_898 = arith.cmpi eq, %select_n3A_896, %eq3A_897 : i32
        %select_n3A_899 = arith.constant 0 : i32
        %select_n3A_900 = arith.select %eq3A_898, %select_n3A_899, %select_n3A_896 : i32
        %add3A_901 = arith.constant 1 : i32
        %add3A_902 = arith.addi %scan3A_292, %add3A_901 : i32
        %select_n3A_903 = arith.select %eq3A_898, %add3A_902, %scan3A_292 : i32
        %eq3A_904 = arith.constant 16 : i32
        %eq3A_905 = arith.cmpi eq, %select_n3A_903, %eq3A_904 : i32
        %select_n3A_906 = arith.constant 0 : i32
        %select_n3A_907 = arith.select %eq3A_905, %select_n3A_906, %select_n3A_903 : i32
        scf.yield %select_n3A_379, %select_n3A_860, %select_n3A_411, %select_n3A_883, %select_n3A_429, %select_n3A_892, %select_n3A_682, %select_n3A_807, %select_n3A_710, %select_n3A_837, %select_n3A_907, %select_n3A_900 : i32, i32, i32, i32, i32, i32, i32, i32, i32, i32, i32, i32
      }
      %scan3A_160 = arith.constant 32 : i32
      %sub3A = arith.constant 1 : i32
      %sub3A_161 = arith.subi %scan3A_159#11, %sub3A : i32
      %select_n3A_162 = arith.constant true
      %select_n3A_163 = arith.select %select_n3A_162, %sub3A_161, %scan3A_159#11 : i32
      %eq3A_164 = arith.constant -1 : i32
      %eq3A_165 = arith.cmpi eq, %select_n3A_163, %eq3A_164 : i32
      %select_n3A_166 = arith.constant 1 : i32
      %select_n3A_167 = arith.select %eq3A_165, %select_n3A_166, %select_n3A_163 : i32
      %sub3A_168 = arith.constant 1 : i32
      %sub3A_169 = arith.subi %scan3A_159#10, %sub3A_168 : i32
      %select_n3A_170 = arith.select %eq3A_165, %sub3A_169, %scan3A_159#10 : i32
      %eq3A_171 = arith.constant -1 : i32
      %eq3A_172 = arith.cmpi eq, %select_n3A_170, %eq3A_171 : i32
      %select_n3A_173 = arith.constant 15 : i32
      %select_n3A_174 = arith.select %eq3A_172, %select_n3A_173, %select_n3A_170 : i32
      %add3A_175 = arith.addi %select_n3A_174, %mul3A_6 : i32
      %add3A_176 = arith.constant 0 : i32
      %add3A_177 = arith.addi %select_n3A_167, %add3A_176 : i32
      %sub3A_178 = arith.constant 1 : i32
      %sub3A_179 = arith.subi %select_n3A_167, %sub3A_178 : i32
      %select_n3A_180 = arith.constant true
      %select_n3A_181 = arith.select %select_n3A_180, %sub3A_179, %select_n3A_167 : i32
      %eq3A_182 = arith.constant -1 : i32
      %eq3A_183 = arith.cmpi eq, %select_n3A_181, %eq3A_182 : i32
      %select_n3A_184 = arith.constant 1 : i32
      %select_n3A_185 = arith.select %eq3A_183, %select_n3A_184, %select_n3A_181 : i32
      %sub3A_186 = arith.constant 1 : i32
      %sub3A_187 = arith.subi %select_n3A_174, %sub3A_186 : i32
      %select_n3A_188 = arith.select %eq3A_183, %sub3A_187, %select_n3A_174 : i32
      %eq3A_189 = arith.constant -1 : i32
      %eq3A_190 = arith.cmpi eq, %select_n3A_188, %eq3A_189 : i32
      %select_n3A_191 = arith.constant 15 : i32
      %select_n3A_192 = arith.select %eq3A_190, %select_n3A_191, %select_n3A_188 : i32
      %add3A_193 = arith.addi %select_n3A_192, %mul3A_6 : i32
      %add3A_194 = arith.constant 0 : i32
      %add3A_195 = arith.addi %select_n3A_185, %add3A_194 : i32
      %add3A_196 = arith.constant 1 : i32
      %add3A_197 = arith.addi %select_n3A_167, %add3A_196 : i32
      %select_n3A_198 = arith.constant true
      %select_n3A_199 = arith.select %select_n3A_198, %add3A_197, %select_n3A_167 : i32
      %eq3A_200 = arith.constant 2 : i32
      %eq3A_201 = arith.cmpi eq, %select_n3A_199, %eq3A_200 : i32
      %select_n3A_202 = arith.constant 0 : i32
      %select_n3A_203 = arith.select %eq3A_201, %select_n3A_202, %select_n3A_199 : i32
      %add3A_204 = arith.constant 1 : i32
      %add3A_205 = arith.addi %select_n3A_174, %add3A_204 : i32
      %select_n3A_206 = arith.select %eq3A_201, %add3A_205, %select_n3A_174 : i32
      %eq3A_207 = arith.constant 16 : i32
      %eq3A_208 = arith.cmpi eq, %select_n3A_206, %eq3A_207 : i32
      %select_n3A_209 = arith.constant 0 : i32
      %select_n3A_210 = arith.select %eq3A_208, %select_n3A_209, %select_n3A_206 : i32
      %add3A_211 = arith.addi %select_n3A_210, %mul3A_6 : i32
      %add3A_212 = arith.constant 0 : i32
      %add3A_213 = arith.addi %select_n3A_203, %add3A_212 : i32
      %add3A_214 = arith.constant 1 : i32
      %add3A_215 = arith.addi %select_n3A_203, %add3A_214 : i32
      %select_n3A_216 = arith.constant true
      %select_n3A_217 = arith.select %select_n3A_216, %add3A_215, %select_n3A_203 : i32
      %eq3A_218 = arith.constant 2 : i32
      %eq3A_219 = arith.cmpi eq, %select_n3A_217, %eq3A_218 : i32
      %select_n3A_220 = arith.constant 0 : i32
      %select_n3A_221 = arith.select %eq3A_219, %select_n3A_220, %select_n3A_217 : i32
      %add3A_222 = arith.constant 1 : i32
      %add3A_223 = arith.addi %select_n3A_210, %add3A_222 : i32
      %select_n3A_224 = arith.select %eq3A_219, %add3A_223, %select_n3A_210 : i32
      %eq3A_225 = arith.constant 16 : i32
      %eq3A_226 = arith.cmpi eq, %select_n3A_224, %eq3A_225 : i32
      %select_n3A_227 = arith.constant 0 : i32
      %select_n3A_228 = arith.select %eq3A_226, %select_n3A_227, %select_n3A_224 : i32
      %add3A_229 = arith.addi %select_n3A_228, %mul3A_6 : i32
      %add3A_230 = arith.constant 0 : i32
      %add3A_231 = arith.addi %select_n3A_221, %add3A_230 : i32
      "tpu.trace_start"() <{level = 10 : i32, message = "ep_finalize"}> : () -> ()
      %rem3A_232 = arith.constant 2 : i32
      %rem3A_233 = arith.remui %scan3A_159#7, %rem3A_232 : i32
      %mul3A_234 = arith.constant 2 : i32
      %mul3A_235 = arith.muli %mul3A_234, %add3A_177 : i32
      %add3A_236 = arith.constant 0 : i32
      %add3A_237 = arith.addi %mul3A_235, %add3A_236 : i32
      %mul3A_238 = arith.constant 512 : i32
      %mul3A_239 = arith.muli %add3A_237, %mul3A_238 : i32
      %add3A_240 = arith.addi %mul3A_239, %add3A_175 : i32
      %mul3A_241 = arith.constant 16 : i32
      %mul3A_242 = arith.muli %mul3A_241, %add3A_240 : i32
      %dma_wait3A = arith.constant 0 : i32
      %dma_wait3A_243 = arith.constant 0 : i32
      %dma_wait3A_244 = tpu.memref_slice %run_scoped3A_12[%rem3A_233, %dma_wait3A, %dma_wait3A_243] : memref<2x16x768xf32, #tpu.memory_space<vmem>> -> memref<1x16x768xf32, #tpu.memory_space<vmem>>
      %dma_wait3A_245 = tpu.memref_squeeze %dma_wait3A_244 : memref<1x16x768xf32, #tpu.memory_space<vmem>> -> memref<16x768xf32, #tpu.memory_space<vmem>>
      %dma_wait3A_246 = arith.constant 0 : i32
      %dma_wait3A_247 = tpu.memref_slice %arg4[%mul3A_242, %dma_wait3A_246] : memref<32768x768xf32, #tpu.memory_space<hbm>> -> memref<16x768xf32, #tpu.memory_space<hbm>>
      %dma_wait3A_248 = tpu.memref_slice %run_scoped3A_13[%rem3A_233] : memref<2x!tpu.dma_semaphore, #tpu.memory_space<semaphore_mem>> -> memref<1x!tpu.dma_semaphore, #tpu.memory_space<semaphore_mem>>
      %dma_wait3A_249 = tpu.memref_squeeze %dma_wait3A_248 : memref<1x!tpu.dma_semaphore, #tpu.memory_space<semaphore_mem>> -> memref<!tpu.dma_semaphore, #tpu.memory_space<semaphore_mem>>
      %dma_wait3A_250 = arith.constant 0 : i32
      %dma_wait3A_251 = tpu.memref_slice %arg4[%mul3A_242, %dma_wait3A_250] : memref<32768x768xf32, #tpu.memory_space<hbm>> -> memref<16x768xf32, #tpu.memory_space<hbm>>
      %dma_wait3A_252 = arith.constant 0 : i32
      %dma_wait3A_253 = arith.constant 0 : i32
      %dma_wait3A_254 = tpu.memref_slice %run_scoped3A_12[%rem3A_233, %dma_wait3A_252, %dma_wait3A_253] : memref<2x16x768xf32, #tpu.memory_space<vmem>> -> memref<1x16x768xf32, #tpu.memory_space<vmem>>
      %dma_wait3A_255 = tpu.memref_squeeze %dma_wait3A_254 : memref<1x16x768xf32, #tpu.memory_space<vmem>> -> memref<16x768xf32, #tpu.memory_space<vmem>>
      tpu.wait_dma2 semaphore(%dma_wait3A_249 : memref<!tpu.dma_semaphore, #tpu.memory_space<semaphore_mem>>) src(%dma_wait3A_255 : memref<16x768xf32, #tpu.memory_space<vmem>>) dst(%dma_wait3A_251 : memref<16x768xf32, #tpu.memory_space<hbm>>)
      %rem3A_256 = arith.constant 2 : i32
      %rem3A_257 = arith.remui %scan3A_159#9, %rem3A_256 : i32
      %mul3A_258 = arith.constant 2 : i32
      %mul3A_259 = arith.muli %mul3A_258, %add3A_177 : i32
      %add3A_260 = arith.constant 1 : i32
      %add3A_261 = arith.addi %mul3A_259, %add3A_260 : i32
      %mul3A_262 = arith.constant 512 : i32
      %mul3A_263 = arith.muli %add3A_261, %mul3A_262 : i32
      %add3A_264 = arith.addi %mul3A_263, %add3A_175 : i32
      %mul3A_265 = arith.constant 16 : i32
      %mul3A_266 = arith.muli %mul3A_265, %add3A_264 : i32
      %dma_wait3A_267 = arith.constant 0 : i32
      %dma_wait3A_268 = arith.constant 0 : i32
      %dma_wait3A_269 = tpu.memref_slice %run_scoped3A_14[%rem3A_257, %dma_wait3A_267, %dma_wait3A_268] : memref<2x16x768xf32, #tpu.memory_space<vmem>> -> memref<1x16x768xf32, #tpu.memory_space<vmem>>
      %dma_wait3A_270 = tpu.memref_squeeze %dma_wait3A_269 : memref<1x16x768xf32, #tpu.memory_space<vmem>> -> memref<16x768xf32, #tpu.memory_space<vmem>>
      %dma_wait3A_271 = arith.constant 0 : i32
      %dma_wait3A_272 = tpu.memref_slice %arg4[%mul3A_266, %dma_wait3A_271] : memref<32768x768xf32, #tpu.memory_space<hbm>> -> memref<16x768xf32, #tpu.memory_space<hbm>>
      %dma_wait3A_273 = tpu.memref_slice %run_scoped3A_15[%rem3A_257] : memref<2x!tpu.dma_semaphore, #tpu.memory_space<semaphore_mem>> -> memref<1x!tpu.dma_semaphore, #tpu.memory_space<semaphore_mem>>
      %dma_wait3A_274 = tpu.memref_squeeze %dma_wait3A_273 : memref<1x!tpu.dma_semaphore, #tpu.memory_space<semaphore_mem>> -> memref<!tpu.dma_semaphore, #tpu.memory_space<semaphore_mem>>
      %dma_wait3A_275 = arith.constant 0 : i32
      %dma_wait3A_276 = tpu.memref_slice %arg4[%mul3A_266, %dma_wait3A_275] : memref<32768x768xf32, #tpu.memory_space<hbm>> -> memref<16x768xf32, #tpu.memory_space<hbm>>
      %dma_wait3A_277 = arith.constant 0 : i32
      %dma_wait3A_278 = arith.constant 0 : i32
      %dma_wait3A_279 = tpu.memref_slice %run_scoped3A_14[%rem3A_257, %dma_wait3A_277, %dma_wait3A_278] : memref<2x16x768xf32, #tpu.memory_space<vmem>> -> memref<1x16x768xf32, #tpu.memory_space<vmem>>
      %dma_wait3A_280 = tpu.memref_squeeze %dma_wait3A_279 : memref<1x16x768xf32, #tpu.memory_space<vmem>> -> memref<16x768xf32, #tpu.memory_space<vmem>>
      tpu.wait_dma2 semaphore(%dma_wait3A_274 : memref<!tpu.dma_semaphore, #tpu.memory_space<semaphore_mem>>) src(%dma_wait3A_280 : memref<16x768xf32, #tpu.memory_space<vmem>>) dst(%dma_wait3A_276 : memref<16x768xf32, #tpu.memory_space<hbm>>)
      "tpu.trace_stop"() : () -> ()
      tpu.yield
    }) : () -> ()
    return
  }
}

</mosaic_0001>

<sc_bundles>
// kernel: kernel.3.cloned.1.call-start
scs
__scs_entry_jumppad:
0x0: {  	(pc) =	sbr.rel $0x88, $3  }
0x1: {  	(tag) =	ssettag $0x0;
	lr =	simm.s32 $0x1  }
0x2: {  	[smem:$0x3F9F] =	sst lr;
	_ =	strace $0xD0000000  }
0x3: {  	_ = 	snop  }
0x4: {  	_ = 	snop  }
0x5: {  	_ = 	snop  }
0x6: {  	_ = 	snop  }
0x7: {  	_ = 	snop  }
__scs_overlays_trampoline_lowered:
0x8: {  	[smem:$0x3FAE] =	sst s0  }
0x9: {  	[smem:$0x3FAF] =	sst s1  }
0xa: {  	[smem:$0x3FB0] =	sst s2  }
0xb: {  	[smem:$0x3FB1] =	sst s3  }
0xc: {  	[smem:$0x3FB2] =	sst s4  }
0xd: {  	[smem:$0x3FB3] =	sst s5  }
0xe: {  	[smem:$0x3FB4] =	sst s6  }
0xf: {  	[smem:$0x3FB5] =	sst s7  }
0x10: {  	[smem:$0x3FB6] =	sst s8  }
0x11: {  	[smem:$0x3FB7] =	sst s9;
	s0 =	simm.s32 @!p0 $0x0  }
0x12: {  	s1 =	sld [smem:$0x3F9D];
	s0 =	simm.s32 @p0 $0x1  }
0x13: {  	[smem:$0x3FB8] =	sst s0;
	s0 =	simm.s32 @!p1 $0x0  }
0x14: {  	s2 =	sld [smem:$0x3F9C];
	s0 =	simm.s32 @p1 $0x1  }
0x15: {  	[smem:$0x3FB9] =	sst s0;
	s0 =	simm.s32 @!p2 $0x0  }
0x16: {  	s3 =	sld [smem:$0x3FDB];
	s0 =	simm.s32 @p2 $0x1  }
0x17: {  	s4 =	simm.s32 $0x1BF5;
	[smem:$0x3FBB] =	sst s0  }
0x18: {  	s0 =	sld [smem:$0x3F9E];
	_ =	swait.ge [sflag:s4], $0x0  }
0x19: {  	s7 =	sld [smem:$0x3F9F]  }
0x1a: {  	s8 =	sadd.s32 $0xFFFFE003, lr  }
0x1b: {  	s9 =	sadd.s32 $0xFFFFFEF7, lr;
	s5 =	simm.s32 $0xFFFFFFFF;
	p2 =	slt.u32 s8, $0xFFFFF086  }
0x1c: {  	p1 =	slt.u32 s9, $0xF7A;
	s5 =	simm.s32 @!p2 $0x0  }
0x1d: {  	s5 =	simm.s32 @p1 $0x1;
	p0 =	seq.s32 s7, s2  }
0x1e: {  	s7 =	smul.u32 @!p0 $0xF7A, s2;
	p2 =	seq.s32 @!p0 s5, $0x0  }
0x1f: {  	s9 =	smul.u32 $0xF7A, s1;
	s8 =	simm.s32 @!p0 $0x1BF5;
	p2 =	por !p2, p0  }
0x20: {  	[sflag:s8] =	ssyncset.s32 @!p0 $0xFFFFF086;
	s6 =	sadd.s32 @!p0 s3, s7;
	s7 =	simm.s32 @!p0 $0x108  }
0x21: {  	s3 =	sadd.s32 s3, s9;
	s6 =	sadd.s32 @!p0 $0x88, s6;
	s7 =	simm.s32 @p2 $0x1082  }
0x22: {  	[simem:s7], [sflag:s8] =	dma.local @!p0 [hbm:s6], $0xF7A  }
0x23: {  	s9 =	sor.u32 $0xD0000000, s2;
	s6 =	simm.s32 $0x108;
	_ =	swait.ge @!p0 [sflag:s8], $0x0  }
0x24: {  	s3 =	sadd.s32 $0x88, s3;
	s6 =	simm.s32 @!p1 $0x1082;
	[sflag:s4] =	ssyncset.s32 $0xFFFFF086  }
0x25: {  	[simem:s6], [sflag:s4] =	dma.local [hbm:s3], $0xF7A  }
0x26: {  	[smem:$0x3F9F] =	sst s1;
	(tag) =	ssettag s2;
	_ =	strace s9  }
0x27: {  	s1 =	sld [smem:$0x3FAF]  }
0x28: {  	s2 =	sld [smem:$0x3FB0]  }
0x29: {  	s4 =	sld [smem:$0x3FB2]  }
0x2a: {  	p0 =	seq.s32 s5, $0x0;
	s5 =	sld [smem:$0x3FB3]  }
0x2b: {  	s6 =	sld [smem:$0x3FB4]  }
0x2c: {  	s7 =	sld [smem:$0x3FB5]  }
0x2d: {  	s3 =	simm.s32 $0x108;
	s8 =	sld [smem:$0x3FB6]  }
0x2e: {  	s3 =	simm.s32 @!p0 $0x1082;
	s9 =	sld [smem:$0x3FB7]  }
0x2f: {  	lr =	sadd.s32 s0, s3;
	s0 =	sld [smem:$0x3FAE]  }
0x30: {  	s3 =	sld [smem:$0x3FB1]  }
0x31: {  	[smem:$0x3FBA] =	sst s10  }
0x32: {  	s10 =	sld [smem:$0x3FB8];
	_ =	sdelay $0x3  }
0x33: {  	p0 =	seq.s32 s10, $0x1;
	s10 =	sld [smem:$0x3FBA];
	_ =	sdelay $0x3  }
0x34: {  	[smem:$0x3FBA] =	sst s10  }
0x35: {  	s10 =	sld [smem:$0x3FB9];
	_ =	sdelay $0x3  }
0x36: {  	p1 =	seq.s32 s10, $0x1;
	s10 =	sld [smem:$0x3FBA];
	_ =	sdelay $0x3  }
0x37: {  	[smem:$0x3FBA] =	sst s10  }
0x38: {  	s10 =	sld [smem:$0x3FBB]  }
0x39: {  	_ = 	snop;
	(pc) =	sbr.ind lr, $3  }
0x3a: {  	_ = 	snop  }
0x3b: {  	_ = 	snop  }
0x3c: {  	p2 =	seq.s32 s10, $0x1;
	s10 =	sld [smem:$0x3FBA]  }
0x3d: {  	_ =	shalt  }
0x3e: {  	_ =	shalt  }
0x3f: {  	_ =	shalt  }
0x40: {  	_ =	shalt  }
0x41: {  	_ =	shalt  }
0x42: {  	_ =	shalt  }
0x43: {  	_ =	shalt  }
0x44: {  	_ =	shalt  }
0x45: {  	_ =	shalt  }
0x46: {  	_ =	shalt  }
0x47: {  	_ =	shalt  }
0x48: {  	_ =	shalt  }
0x49: {  	_ =	shalt  }
0x4a: {  	_ =	shalt  }
0x4b: {  	_ =	shalt  }
0x4c: {  	_ =	shalt  }
0x4d: {  	_ =	shalt  }
0x4e: {  	_ =	shalt  }
0x4f: {  	_ =	shalt  }
0x50: {  	_ =	shalt  }
0x51: {  	_ =	shalt  }
0x52: {  	_ =	shalt  }
0x53: {  	_ =	shalt  }
0x54: {  	_ =	shalt  }
0x55: {  	_ =	shalt  }
0x56: {  	_ =	shalt  }
0x57: {  	_ =	shalt  }
0x58: {  	_ =	shalt  }
0x59: {  	_ =	shalt  }
0x5a: {  	_ =	shalt  }
0x5b: {  	_ =	shalt  }
0x5c: {  	_ =	shalt  }
0x5d: {  	_ =	shalt  }
0x5e: {  	_ =	shalt  }
0x5f: {  	_ =	shalt  }
0x60: {  	_ =	shalt  }
0x61: {  	_ =	shalt  }
0x62: {  	_ =	shalt  }
0x63: {  	_ =	shalt  }
0x64: {  	_ =	shalt  }
0x65: {  	_ =	shalt  }
0x66: {  	_ =	shalt  }
0x67: {  	_ =	shalt  }
0x68: {  	_ =	shalt  }
0x69: {  	_ =	shalt  }
0x6a: {  	_ =	shalt  }
0x6b: {  	_ =	shalt  }
0x6c: {  	_ =	shalt  }
0x6d: {  	_ =	shalt  }
0x6e: {  	_ =	shalt  }
0x6f: {  	_ =	shalt  }
0x70: {  	_ =	shalt  }
0x71: {  	_ =	shalt  }
0x72: {  	_ =	shalt  }
0x73: {  	_ =	shalt  }
0x74: {  	_ =	shalt  }
0x75: {  	_ =	shalt  }
0x76: {  	_ =	shalt  }
0x77: {  	_ =	shalt  }
0x78: {  	_ =	shalt  }
0x79: {  	_ =	shalt  }
0x7a: {  	_ =	shalt  }
0x7b: {  	_ =	shalt  }
0x7c: {  	_ =	shalt  }
0x7d: {  	_ =	shalt  }
0x7e: {  	_ =	shalt  }
0x7f: {  	_ =	shalt  }
0x80: {  	_ =	shalt  }
0x81: {  	_ =	shalt  }
0x82: {  	_ =	shalt  }
0x83: {  	_ =	shalt  }
0x84: {  	_ =	shalt  }
0x85: {  	_ =	shalt  }
0x86: {  	_ =	shalt  }
0x87: {  	_ =	shalt  }
.Lfunc_end0:
.L_simem_size_0:
called_computation_lowered:
.L_overlay_start_0:
0x88: {  	s2 =	sld [smem:$0x3FD9]  }
0x89: {  	s3 =	sld [smem:$0x3FFE];
	_ =	sdelay $0x1  }
0x8a: {  	s1 =	srdreg.scid  }
0x8b: {  	s0 =	sand.u32 $0x1, s1  }
0x8c: {  	s18 =	sshll.u32 s0, $0xA;
	s2 =	sadd.s32 s3, s2  }
0x8d: {  	s2 =	sadd.s32 s2, s18  }
0x8e: {  	[smem:$0x3FC6] =	sst s2  }
0x8f: {  	_ = 	snop  }
0x90: {  	s2 =	sld [smem:$0x3FC9]  }
0x91: {  	s19 =	sld [smem:$0x3FC8]  }
0x92: {  	s4 =	sld [smem:$0x3FD0];
	(tm) =	ssettm $0x1  }
0x93: {  	s5 =	sld [smem:$0x3FFB];
	_ =	sdelay $0x3  }
0x94: {  	_ =	strace s5  }
0x95: {  	s5 =	sld [smem:$0x3FFC];
	_ =	sdelay $0x3  }
0x96: {  	_ =	strace s5  }
0x97: {  	s5 =	sld [smem:$0x3FFD];
	_ =	sdelay $0x3  }
0x98: {  	_ =	strace s5  }
0x99: {  	_ =	strace $0x8FFFFFFF  }
0x9a: {  	s20 =	sld [smem:$0x3FDB];
	_ =	sdelay $0x1  }
0x9b: {  	s6 =	simm.s32 $_scs_section_size  }
0x9c: {  	s7 =	simm.s32 $_size__tile_overlayer_lowered;
	s8 =	simm.s32 $_tile_overlayer_lowered  }
0x9d: {  	s23 =	simm.s32 $0x1BFF;
	s22 =	sshll.u32 s8, $0x1;
	s5 =	sadd.s32 s6, s20  }
0x9e: {  	s9 =	simm.s32 $0x0;
	s21 =	sshll.u32 s7, $0x1;
	s7 =	sadd.s32 s22, s5  }
0x9f: {  	[timem:s9], [sflag:s23] =	dma.local [hbm:s7], s21  }
0xa0: {  	_ =	swait.ge [sflag:s23], s21  }
0xa1: {  	s6 =	ssub.s32 $0x0, s21;
	[sflag:s23] =	ssyncset.done $0x0  }
0xa2: {  	[sflag:s23] =	ssyncadd.s32 s6;
	_ =	sdelay $0x1  }
0xa3: {  	s24 =	simm.s32 $0x1B8B  }
0xa4: {  	_ =	swait.ge [sflag:s24], $0x1  }
0xa5: {  	[sflag:s24] =	ssyncset.done $0x0  }
0xa6: {  	s25 =	simm.s32 $0x1B8E;
	[sflag:s24] =	ssyncadd.s32 $0xFFFFFFFF  }
0xa7: {  	s26 =	simm.s32 $execute0_lowered;
	[smem:$0x3FD2] =	sst s25  }
0xa8: {  	s6 =	sshll.u32 s26, $0x1;
	_ =	strace $0x80000046;
	[dreg:$0x1] =	wrdreg $0xFFFFFFFF  }
0xa9: {  	s28 =	simm.s32 $_size_execute0_lowered;
	s5 =	sadd.s32 s5, s6;
	[dreg:$0x0] =	wrdreg $0x0  }
0xaa: {  	s6 =	sshll.u32 s28, $0x1;
	[dreg:$0x2] =	wrdreg s5  }
0xab: {  	[dreg:$0x3] =	wrdreg s6  }
0xac: {  	[dreg:$0x4] =	wrdreg $0xC0  }
0xad: {  	_ =	task [dreg:s9], $0x5FFFF  }
0xae: {  	[dreg:$0x1] =	wrdreg $0xFFFFFFFF  }
0xaf: {  	[dreg:$0x0] =	wrdreg $0x60  }
0xb0: {  	[dreg:$0x2] =	wrdreg s2  }
0xb1: {  	[dreg:$0x3] =	wrdreg s19  }
0xb2: {  	[dreg:$0x4] =	wrdreg s4  }
0xb3: {  	[dreg:$0x5] =	wrdreg $0x9  }
0xb4: {  	_ =	task.clear_ibuf [dreg:s9], $0x6FFFF;
	_ =	strace $0x90000046  }
0xb5: {  	s29 =	simm.s32 $0x9;
	_ =	strace $0x80000055  }
0xb6: {  	_ =	swait.ge [sflag:s29], $0x1  }
0xb7: {  	[sflag:s29] =	ssyncadd.s32 $0xFFFFFFFF  }
0xb8: {  	_ =	strace $0x90000055  }
0xb9: {  	_ =	sfence  }
0xba: {  	s30 =	sld [smem:$0x0];
	_ =	sdelay $0x2  }
0xbb: {  	s31 =	sshll.u32 s1, $0xD;
	s1 =	sshrl.u32 s1, $0x2  }
0xbc: {  	s3 =	sand.u32 $0x4000, s31;
	s1 =	sadd.s32 s1, s30  }
0xbd: {  	s0 =	sor.u32 s3, s0;
	s1 =	sshll.u32 s1, $0x11  }
0xbe: {  	s0 =	sor.u32 s1, s0  }
0xbf: {  	s0 =	sadd.s32 $0x8F2B, s0  }
0xc0: {  	[sflag:s0] =	ssyncadd.remote.s32 $0x1  }
0xc1: {  	_ =	sfence.sel $0xFFFF  }
0xc2: {  	[dreg:$0x0] =	wrdreg $0xFFFFFFFF;
	(pc) =	sbr.abs _section_cstart, $3  }
0xc3: {  	[dreg:$0x1] =	wrdreg $0xFFFFFFFF  }
0xc4: {  	_ =	task.clear_ibuf [dreg:s9], $0x2FFFF;
	_ =	strace $0x9FFFFFFF  }
0xc5: {  	(tm) =	ssettm $0x7FFFFFFF  }
tec
execute0_lowered:
.L_overlay_start_1:
0x0: {  	(tag) =	ssettag $0x1  }
0x1: {  	s4 =	rddreg [dreg:$0x0];
	s0 =	srdreg.scid  }
0x2: {  	s5 =	rddreg [dreg:$0x1];
	s2 =	stileid.u32;
	s0 =	sand.u32 $0x1, s0  }
0x3: {  	s3 =	simm.s32 $0x0;
	s1 =	sshll.u32 s0, $0x4;
	s0 =	ssub.s32 $0x2, s0  }
0x4: {  	[smem:$0x7FF] =	sst s3;
	s1 =	sor.u32 s2, s1;
	s29 =	sshrl.u32 s0, $0x1  }
0x5: {  	s2 =	smul.u32 $0x6000, s1;
	s0 =	ssub.s32 s0, s29;
	s1 =	sshll.u32 s1, $0x4  }
0x6: {  	_ =	strace $0x80000047;
	[dreg:$0x4] =	wrdreg s1;
	s0 =	smax.u32 s0, $0x1  }
0x7: {  	s30 =	sadd.s32 s4, s2;
	[dreg:$0x8] =	wrdreg s0  }
0x8: {  	s31 =	sadd.s32 s5, s2;
	[dreg:$0x5] =	wrdreg s30  }
0x9: {  	s1 =	sadd.s32 $0xC0000, s30;
	[dreg:$0x7] =	wrdreg s31  }
0xa: {  	[dreg:$0x6] =	wrdreg s1;
	s1 =	simm.s32 $0x0  }
.LBB2_1:
0xb: {  	[dreg:$0x9] =	wrdreg s1  }
0xc: {  	s0 =	simm.s32 $0x0;
	s2 =	simm.s32 $0x6000;
	s31 =	simm.s32 $0xC000  }
0xd: {  	s14 =	simm.s32 $0x0;
	s17 =	simm.s32 $0x0;
	s16 =	simm.s32 $0x0  }
0xe: {  	s18 =	simm.s32 $0x0;
	s19 =	simm.s32 $0x0;
	_ =	strace $0x80000048  }
0xf: {  	s12 =	simm.s32 $0x1;
	s21 =	simm.s32 $0x0;
	s28 =	rddreg [dreg:$0x5]  }
0x10: {  	[tilespmem:s0], [sflag:$0x1] =	stream.linear.gather [hbm4b:s28+s0], $0x3000, $0x200038;
	[tilespmem:$0x1E000] =	vst v63  }
0x11: {  	s13 =	simm.s32 $0x1;
	s23 =	simm.s32 $0x0;
	s29 =	rddreg [dreg:$0x6]  }
0x12: {  	[tilespmem:s2], [sflag:$0x3] =	stream.linear.gather [hbm4b:s29+s0], $0x3000, $0x200038;
	[tilespmem:$0x1E000] =	vst v63  }
0x13: {  	s15 =	simm.s32 $0x1;
	s25 =	simm.s32 $0x0;
	s30 =	rddreg [dreg:$0x7]  }
0x14: {  	[tilespmem:s31], [sflag:$0x5] =	stream.linear.gather [hbm4b:s30+s0], $0x3000, $0x200038;
	[tilespmem:$0x1E000] =	vst v63  }
0x15: {  	s2 =	simm.s32 $0x0;
	s0 =	simm.s32 $0x0;
	_ =	strace $0x90000048  }
.LBB2_2:
0x16: {  	s3 =	sadd.s32 $0x1, s2  }
0x17: {  	s1 =	simm.s32 $0x1;
	p0 =	seq.s32 s3, $0x2  }
0x18: {  	s1 =	simm.s32 @!p0 $0x0  }
0x19: {  	s26 =	sadd.s32 s1, s0  }
0x1a: {  	s11 =	rddreg [dreg:$0x4];
	s5 =	sshll.u32 s2, $0xA;
	p1 =	seq.s32 s26, $0x10  }
0x1b: {  	s30 =	sadd.s32 s11, s0;
	s3 =	simm.s32 @p0 $0x0;
	s26 =	simm.s32 @p1 $0x0  }
0x1c: {  	[dreg:$0xa] =	wrdreg s3;
	s3 =	sshll.u32 s3, $0xA;
	s4 =	sadd.s32 s11, s26  }
0x1d: {  	s20 =	sadd.s32 s30, s5;
	s3 =	sadd.s32 s3, s4  }
0x1e: {  	p4 =	sne.s32 s25, $0x1F;
	p1 =	sne.s32 s20, s3  }
0x1f: {  	p5 =	por !p4, !p1  }
0x20: {  	s1 =	sadd.s32 s5, s30;
	p2 =	por !p5, !p5  }
0x21: {  	p6 =	sne.s32 s1, s3;
	s6 =	sand.u32 @p2 $0x1, s15;
	s8 =	smul.u32 @p2 $0x600, s3  }
0x22: {  	p0 =	por !p4, !p6;
	_ =	strace @p2 $0x80000049;
	s7 =	smul.u32 @p2 $0xC000, s6  }
0x23: {  	p3 =	por !p0, !p0;
	s9 =	simm.s32 @p2 $0x0;
	s10 =	rddreg [dreg:$0x0]  }
0x24: {  	s6 =	sadd.s32 @p2 $0x1, s6;
	s8 =	sadd.s32 @p2 s10, s8;
	s7 =	sshrl.u32 @p2 s7, $0x2  }
0x25: {  	[tilespmem:s7], [sflag:s6] =	stream.linear.gather @p2 [hbm4b:s8+s9], $0x3000, $0x200038;
	[tilespmem:$0x1E000] =	vst v63  }
0x26: {  	p0 =	sne.s32 s0, s26;
	s6 =	sand.u32 @p3 $0x1, s13  }
0x27: {  	p5 =	seq.s32 s2, $0x0;
	s2 =	simm.s32 $0x1;
	s7 =	smul.u32 @p3 $0xC000, s6  }
0x28: {  	p4 =	por !p4, !p0;
	s8 =	sadd.s32 $0x200, s3;
	_ =	strace @p2 $0x90000049  }
0x29: {  	[dreg:$0xf] =	wrdreg s8;
	s3 =	sshrl.u32 @p3 s7, $0x2;
	s7 =	smul.u32 @p3 $0x600, s8  }
0x2a: {  	p4 =	por !p4, !p4;
	s6 =	sadd.s32 @p3 $0x3, s6;
	_ =	strace @p3 $0x8000004A  }
0x2b: {  	s8 =	simm.s32 @p3 $0x0;
	s3 =	sadd.s32 @p3 $0x6000, s3;
	s7 =	sadd.s32 @p3 s10, s7  }
0x2c: {  	[tilespmem:s3], [sflag:s6] =	stream.linear.gather @p3 [hbm4b:s7+s8], $0x3000, $0x200038;
	[tilespmem:$0x1E000] =	vst v63  }
0x2d: {  	s2 =	simm.s32 @!p5 $0x0;
	s6 =	sand.u32 @p4 $0x1, s12  }
0x2e: {  	s3 =	ssub.s32 s0, s2;
	s7 =	smul.u32 @p4 $0xC000, s6;
	_ =	strace @p3 $0x9000004A  }
0x2f: {  	s4 =	smul.u32 @p4 $0x600, s4;
	p6 =	seq.s32 s3, $0xFFFFFFFF;
	_ =	strace @p4 $0x8000004B  }
0x30: {  	s6 =	sadd.s32 @p4 $0x5, s6;
	s2 =	sshrl.u32 @p4 s7, $0x2;
	s7 =	rddreg [dreg:$0x1]  }
0x31: {  	s2 =	sor.u32 @p4 $0xC000, s2;
	s4 =	sadd.s32 @p4 s7, s4;
	s7 =	simm.s32 @p4 $0x0  }
0x32: {  	[tilespmem:s2], [sflag:s6] =	stream.linear.gather @p4 [hbm4b:s4+s7], $0x3000, $0x200038;
	[tilespmem:$0x1E000] =	vst v63  }
0x33: {  	s3 =	simm.s32 @p6 $0xF;
	s2 =	sadd.s32 $0xFFFFFC00, s5  }
0x34: {  	s10 =	sadd.s32 s11, s3;
	s2 =	simm.s32 @p5 $0x400  }
0x35: {  	p5 =	seq.s32 s25, $0x0;
	s5 =	sadd.s32 s2, s10  }
0x36: {  	[dreg:$0xe] =	wrdreg s20;
	p6 =	seq.s32 @!p5 s20, s5  }
0x37: {  	_ =	strace @p4 $0x9000004B;
	s2 =	sand.u32 $0x1, s23;
	p6 =	por p5, !p6  }
0x38: {  	_ =	strace @p6 $0x8000004C;
	s4 =	sadd.s32 @p6 $0x1, s2  }
0x39: {  	_ =	swait.ge @p6 [sflag:s4], $0x3000  }
0x3a: {  	[sflag:s4] =	ssyncset.done @p6 $0x0  }
0x3b: {  	s31 =	sadd.s32 $0x200, s1;
	s1 =	sadd.s32 $0x200, s5;
	[sflag:s4] =	ssyncadd.s32 @p6 $0xFFFFD000  }
0x3c: {  	_ =	strace @p6 $0x9000004C;
	p6 =	seq.s32 @!p5 s31, s1  }
0x3d: {  	[dreg:$0x11] =	wrdreg s1;
	s1 =	sand.u32 $0x1, s21;
	p6 =	por p5, !p6  }
0x3e: {  	_ =	strace @p6 $0x8000004D;
	s4 =	sadd.s32 @p6 $0x3, s1  }
0x3f: {  	_ =	swait.ge @p6 [sflag:s4], $0x3000  }
0x40: {  	[sflag:s4] =	ssyncset.done @p6 $0x0  }
0x41: {  	[sflag:s4] =	ssyncadd.s32 @p6 $0xFFFFD000  }
0x42: {  	s24 =	sand.u32 $0x1, s18;
	_ =	strace @p6 $0x9000004D;
	p6 =	seq.s32 @!p5 s0, s3  }
0x43: {  	[dreg:$0x10] =	wrdreg s5;
	s0 =	sand.u32 $0x1, s19;
	p5 =	por p5, !p6  }
0x44: {  	s4 =	simm.s32 $0x1;
	_ =	strace @p5 $0x8000004E;
	s3 =	sadd.s32 @p5 $0x5, s0  }
0x45: {  	s28 =	sand.u32 $0x1, s17;
	s4 =	simm.s32 @!p3 $0x0;
	_ =	swait.ge @p5 [sflag:s3], $0x3000  }
0x46: {  	s5 =	simm.s32 $0x1;
	s20 =	sadd.s32 s4, s13;
	[sflag:s3] =	ssyncset.done @p5 $0x0  }
0x47: {  	s5 =	simm.s32 @!p4 $0x0;
	s4 =	smul.u32 $0xC000, s28;
	[sflag:s3] =	ssyncadd.s32 @p5 $0xFFFFD000  }
0x48: {  	s22 =	sadd.s32 s5, s12;
	s3 =	simm.s32 $0x1;
	_ =	strace @p5 $0x9000004E  }
0x49: {  	s3 =	simm.s32 @!p2 $0x0;
	[dreg:$0xc] =	wrdreg s20;
	p2 =	seq.s32 s0, $0x1  }
0x4a: {  	s0 =	simm.s32 $0xF000;
	s11 =	sadd.s32 s3, s15;
	s3 =	smul.u32 $0xC000, s24  }
0x4b: {  	s0 =	simm.s32 @!p2 $0xC000;
	p2 =	seq.s32 s1, $0x1;
	s1 =	simm.s32 $0x9000  }
0x4c: {  	[dreg:$0xb] =	wrdreg s22;
	s1 =	simm.s32 @!p2 $0x6000;
	s3 =	sshrl.u32 s3, $0x2  }
0x4d: {  	[dreg:$0x13] =	wrdreg s24;
	v3 =	vmov s1;
	s29 =	sadd.s32 $0x12000, s3  }
0x4e: {  	p3 =	seq.s32 s2, $0x1;
	s4 =	sshrl.u32 s4, $0x2;
	[dreg:$0x12] =	wrdreg s28;
	v2 =	vmov s29  }
0x4f: {  	s2 =	simm.s32 $0x3000;
	s30 =	sor.u32 $0x18000, s4;
	[dreg:$0xd] =	wrdreg s11  }
0x50: {  	s2 =	simm.s32 @!p3 $0x0;
	_ =	strace $0x8000004F;
	[dreg:$0x14] =	wrdreg s30  }
0x51: {  	s9 =	simm.s32 $0x0;
	s10 =	simm.s32 $0x0;
	v1 =	vmov s2;
	v4 =	vmov s30;
	v0 =	vmov s0;
	[dreg:$0x15] =	wrdreg s29  }
.LBB2_3:
0x52: {  	s0 =	sshrl.u32 s10, $0x3;
	s1 =	sshll.u32 s10, $0x7  }
0x53: {  	s7 =	simm.s32 $0x0;
	s13 =	smul.u32 $0x1800, s0;
	s0 =	sand.u32 $0x380, s1  }
0x54: {  	s2 =	sand.u32 $0x1C00, s9;
	s1 =	sand.u32 $0x40, s7;
	s4 =	sor.u32 $0x30, s0  }
0x55: {  	s2 =	sadd.s32 s13, s2;
	s3 =	sor.u32 s4, s1  }
0x56: {  	s12 =	sor.u32 s2, s3  }
0x57: {  	s8 =	sor.u32 s0, s1;
	s6 =	sor.u32 $0x10, s0;
	v10 =	vld.idx.msk [tilespmem:v0+s12+$0x0 ss:$0x1], $0xffff  }
0x58: {  	s29 =	sor.u32 $0x20, s0;
	s11 =	sor.u32 s6, s1;
	s7 =	sor.u32 s2, s8;
	v7 =	vld.idx.msk [tilespmem:v1+s12+$0x0 ss:$0x1], $0xffff  }
0x59: {  	s1 =	sor.u32 s29, s1;
	s3 =	sor.u32 s2, s11;
	v5 =	vld.idx.msk [tilespmem:v0+s7+$0x0 ss:$0x1], $0xffff  }
0x5a: {  	s5 =	sor.u32 s2, s1;
	s2 =	simm.s32 $0x40;
	s11 =	simm.s32 $0x200;
	v8 =	vld.idx.msk [tilespmem:v1+s7+$0x0 ss:$0x1], $0xffff  }
0x5b: {  	v6 =	vld.idx.msk [tilespmem:v0+s3+$0x0 ss:$0x1], $0xffff;
	s15 =	sand.u32 $0x40, s2;
	s20 =	sand.u32 $0x1C00, s11  }
0x5c: {  	v9 =	vld.idx.msk [tilespmem:v1+s3+$0x0 ss:$0x1], $0xffff;
	s30 =	sadd.s32 s13, s20;
	s24 =	sor.u32 s4, s15  }
0x5d: {  	v13 =	vld.idx.msk [tilespmem:v1+s5+$0x0 ss:$0x1], $0xffff;
	s22 =	sor.u32 s30, s24;
	v11 =	vadd.f32 v7, v10  }
0x5e: {  	v15 =	vld.idx.msk [tilespmem:v1+s22+$0x0 ss:$0x1], $0xffff  }
0x5f: {  	s28 =	sor.u32 s0, s15;
	v7 =	vld.idx.msk [tilespmem:v0+s5+$0x0 ss:$0x1], $0xffff;
	[tilespmem:v2+s12+$0x0 ss:$0x1] =	vst.idx.msk $0xffff, v11  }
0x60: {  	s20 =	sor.u32 s30, s28;
	v14 =	vld.idx.msk [tilespmem:v3+s12+$0x0 ss:$0x1], $0xffff  }
0x61: {  	v12 =	vld.idx.msk [tilespmem:v1+s20+$0x0 ss:$0x1], $0xffff  }
0x62: {  	s24 =	sor.u32 s6, s15;
	v16 =	vadd.f32 v8, v5;
	v11 =	vld.idx.msk [tilespmem:v0+s22+$0x0 ss:$0x1], $0xffff  }
0x63: {  	s24 =	sor.u32 s30, s24;
	v8 =	vld.idx.msk [tilespmem:v0+s20+$0x0 ss:$0x1], $0xffff;
	v17 =	vadd.f32 v9, v6  }
0x64: {  	s1 =	sor.u32 s29, s15;
	v9 =	vld.idx.msk [tilespmem:v0+s24+$0x0 ss:$0x1], $0xffff;
	[tilespmem:v2+s7+$0x0 ss:$0x1] =	vst.idx.msk $0xffff, v16;
	v16 =	vadd.f32 v13, v7  }
0x65: {  	s1 =	sor.u32 s30, s1;
	[tilespmem:v2+s3+$0x0 ss:$0x1] =	vst.idx.msk $0xffff, v17;
	v13 =	vld.idx.msk [tilespmem:v1+s24+$0x0 ss:$0x1], $0xffff;
	v14 =	vadd.f32 v14, v10  }
0x66: {  	[tilespmem:v2+s5+$0x0 ss:$0x1] =	vst.idx.msk $0xffff, v16;
	v10 =	vld.idx.msk [tilespmem:v0+s1+$0x0 ss:$0x1], $0xffff  }
0x67: {  	v15 =	vadd.f32 v15, v11;
	[tilespmem:v4+s12+$0x0 ss:$0x1] =	vst.idx.msk $0xffff, v14;
	v14 =	vld.idx.msk [tilespmem:v1+s1+$0x0 ss:$0x1], $0xffff  }
.LBB2_4:
0x68: {  	s2 =	sadd.s32 $0x40, s2;
	s11 =	sadd.s32 $0x200, s11;
	v16 =	vld.idx.msk [tilespmem:v3+s7+$0x0 ss:$0x1], $0xffff  }
0x69: {  	v12 =	vadd.f32 v12, v8;
	s12 =	sand.u32 $0x40, s2;
	s30 =	sand.u32 $0x1C00, s11;
	p2 =	slt.u32 s2, $0x2C0;
	[tilespmem:v2+s22+$0x0 ss:$0x1] =	vst.idx.msk $0xffff, v15;
	v15 =	vld.idx.msk [tilespmem:v3+s3+$0x0 ss:$0x1], $0xffff  }
0x6a: {  	s30 =	sadd.s32 s13, s30;
	s8 =	sor.u32 s0, s12;
	s28 =	sor.u32 s4, s12;
	v17 =	vld.idx.msk [tilespmem:v3+s22+$0x0 ss:$0x1], $0xffff  }
0x6b: {  	s15 =	sor.u32 s6, s12;
	s12 =	sor.u32 s29, s12;
	s28 =	sor.u32 s30, s28;
	[tilespmem:v2+s20+$0x0 ss:$0x1] =	vst.idx.msk $0xffff, v12;
	v12 =	vadd.f32 v13, v9;
	v18 =	vld.idx.msk [tilespmem:v3+s5+$0x0 ss:$0x1], $0xffff  }
0x6c: {  	s8 =	sor.u32 s30, s8;
	s15 =	sor.u32 s30, s15;
	s12 =	sor.u32 s30, s12;
	v19 =	vld.idx.msk [tilespmem:v0+s28+$0x0 ss:$0x1], $0xffff  }
0x6d: {  	v13 =	vadd.f32 v14, v10;
	v20 =	vld.idx.msk [tilespmem:v1+s28+$0x0 ss:$0x1], $0xffff;
	[tilespmem:v2+s24+$0x0 ss:$0x1] =	vst.idx.msk $0xffff, v12  }
0x6e: {  	v14 =	vadd.f32 v16, v5;
	v5 =	vmov v8;
	v8 =	vld.idx.msk [tilespmem:v0+s8+$0x0 ss:$0x1], $0xffff  }
.Ltmp0:
0x6f: {  	v15 =	vadd.f32 v15, v6;
	v6 =	vmov v9;
	v12 =	vld.idx.msk [tilespmem:v1+s8+$0x0 ss:$0x1], $0xffff;
	[tilespmem:v2+s1+$0x0 ss:$0x1] =	vst.idx.msk $0xffff, v13;
	(pc) =	sbr.rel @p2 .LBB2_4-.Ltmp0, $4  }
0x70: {  	v17 =	vadd.f32 v17, v11;
	v9 =	vld.idx.msk [tilespmem:v0+s15+$0x0 ss:$0x1], $0xffff;
	[tilespmem:v4+s7+$0x0 ss:$0x1] =	vst.idx.msk $0xffff, v14;
	s7 =	smov.u32 s20;
	s20 =	smov.u32 s8  }
0x71: {  	v16 =	vadd.f32 v18, v7;
	v7 =	vmov v10;
	v13 =	vld.idx.msk [tilespmem:v1+s15+$0x0 ss:$0x1], $0xffff;
	[tilespmem:v4+s3+$0x0 ss:$0x1] =	vst.idx.msk $0xffff, v15;
	s3 =	smov.u32 s24;
	s24 =	smov.u32 s15  }
0x72: {  	v11 =	vmov v19;
	v10 =	vld.idx.msk [tilespmem:v0+s12+$0x0 ss:$0x1], $0xffff;
	[tilespmem:v4+s22+$0x0 ss:$0x1] =	vst.idx.msk $0xffff, v17;
	s22 =	smov.u32 s28  }
0x73: {  	v15 =	vadd.f32 v20, v11;
	v14 =	vld.idx.msk [tilespmem:v1+s12+$0x0 ss:$0x1], $0xffff;
	[tilespmem:v4+s5+$0x0 ss:$0x1] =	vst.idx.msk $0xffff, v16;
	s5 =	smov.u32 s1;
	s1 =	smov.u32 s12  }
0x74: {  	_ =	sdelay $0x3  }
0x75: {  	v16 =	vld.idx.msk [tilespmem:v3+s7+$0x0 ss:$0x1], $0xffff  }
0x76: {  	v12 =	vadd.f32 v12, v8;
	v59 =	vld.idx.msk [tilespmem:v3+s3+$0x0 ss:$0x1], $0xffff;
	[tilespmem:v2+s22+$0x0 ss:$0x1] =	vst.idx.msk $0xffff, v15  }
0x77: {  	v17 =	vld.idx.msk [tilespmem:v3+s22+$0x0 ss:$0x1], $0xffff;
	v13 =	vadd.f32 v13, v9  }
0x78: {  	v60 =	vld.idx.msk [tilespmem:v3+s5+$0x0 ss:$0x1], $0xffff;
	[tilespmem:v2+s20+$0x0 ss:$0x1] =	vst.idx.msk $0xffff, v12;
	v14 =	vadd.f32 v14, v10  }
0x79: {  	v61 =	vld.idx.msk [tilespmem:v3+s20+$0x0 ss:$0x1], $0xffff;
	[tilespmem:v2+s24+$0x0 ss:$0x1] =	vst.idx.msk $0xffff, v13  }
0x7a: {  	v5 =	vadd.f32 v16, v5;
	v62 =	vld.idx.msk [tilespmem:v3+s24+$0x0 ss:$0x1], $0xffff;
	[tilespmem:v2+s1+$0x0 ss:$0x1] =	vst.idx.msk $0xffff, v14  }
0x7b: {  	v6 =	vadd.f32 v59, v6;
	v63 =	vld.idx.msk [tilespmem:v3+s1+$0x0 ss:$0x1], $0xffff  }
0x7c: {  	s10 =	sadd.s32 $0x1, s10;
	v11 =	vadd.f32 v17, v11;
	[tilespmem:v4+s7+$0x0 ss:$0x1] =	vst.idx.msk $0xffff, v5  }
0x7d: {  	p2 =	sne.s32 s10, $0x10;
	[tilespmem:v4+s3+$0x0 ss:$0x1] =	vst.idx.msk $0xffff, v6;
	v5 =	vadd.f32 v60, v7  }
.Ltmp1:
0x7e: {  	v6 =	vadd.f32 v61, v8;
	[tilespmem:v4+s22+$0x0 ss:$0x1] =	vst.idx.msk $0xffff, v11;
	(pc) =	sbr.rel @p2 .LBB2_3-.Ltmp1, $4  }
0x7f: {  	[tilespmem:v4+s5+$0x0 ss:$0x1] =	vst.idx.msk $0xffff, v5;
	v5 =	vadd.f32 v62, v9  }
0x80: {  	[tilespmem:v4+s20+$0x0 ss:$0x1] =	vst.idx.msk $0xffff, v6;
	v6 =	vadd.f32 v63, v10  }
0x81: {  	[tilespmem:v4+s24+$0x0 ss:$0x1] =	vst.idx.msk $0xffff, v5  }
0x82: {  	[tilespmem:v4+s1+$0x0 ss:$0x1] =	vst.idx.msk $0xffff, v6  }
0x83: {  	p2 =	seq.s32 s25, $0x1F  }
0x84: {  	_ =	strace $0x9000004F;
	p1 =	por p2, p1  }
0x85: {  	s4 =	rddreg [dreg:$0xe];
	_ =	strace @p1 $0x80000050  }
0x86: {  	s1 =	rddreg [dreg:$0x13]  }
0x87: {  	s3 =	rddreg [dreg:$0x2]  }
0x88: {  	s0 =	smul.u32 @p1 $0x600, s4;
	s5 =	rddreg [dreg:$0x15]  }
0x89: {  	s2 =	simm.s32 @p1 $0x0;
	s28 =	rddreg [dreg:$0xf]  }
0x8a: {  	s1 =	sadd.s32 @p1 $0x7, s1;
	s0 =	sadd.s32 @p1 s3, s0;
	p3 =	sne.s32 s31, s28  }
0x8b: {  	[hbm4b:s0+s2] =	stream.linear.scatter @p1 [tilespmem:s5], [sflag:s1], $0x3000, $0x200038;
	[tilespmem:$0x1E000] =	vst v63  }
0x8c: {  	p3 =	por p2, p3;
	_ =	strace @p1 $0x90000050  }
0x8d: {  	s0 =	smul.u32 @p3 $0x600, s31;
	_ =	strace @p3 $0x80000051  }
0x8e: {  	p5 =	sne.s32 s25, $0x0;
	s1 =	rddreg [dreg:$0x12]  }
0x8f: {  	s2 =	simm.s32 @p3 $0x0;
	s0 =	sadd.s32 @p3 s3, s0;
	s29 =	rddreg [dreg:$0x10]  }
0x90: {  	s3 =	rddreg [dreg:$0x14];
	s1 =	sadd.s32 @p3 $0x9, s1;
	p4 =	sne.s32 s4, s29  }
0x91: {  	[hbm4b:s0+s2] =	stream.linear.scatter @p3 [tilespmem:s3], [sflag:s1], $0x3000, $0x200038;
	[tilespmem:$0x1E000] =	vst v63  }
0x92: {  	p4 =	por !p5, !p4  }
0x93: {  	p4 =	por !p4, !p4  }
0x94: {  	_ =	strace @p3 $0x90000051;
	s0 =	sand.u32 @p4 $0x1, s16  }
0x95: {  	_ =	strace @p4 $0x80000052;
	s0 =	sadd.s32 @p4 $0x7, s0  }
0x96: {  	_ =	swait.ge @p4 [sflag:s0], $0x3000  }
0x97: {  	s30 =	rddreg [dreg:$0x11]  }
0x98: {  	s25 =	sadd.s32 $0x1, s25;
	p0 =	por p2, p0;
	p6 =	sne.s32 s31, s30  }
0x99: {  	s1 =	simm.s32 $0x1;
	[sflag:s0] =	ssyncset.done @p4 $0x0;
	p5 =	por !p5, !p6  }
0x9a: {  	s2 =	simm.s32 $0x1;
	[sflag:s0] =	ssyncadd.s32 @p4 $0xFFFFD000;
	p5 =	por !p5, !p5  }
0x9b: {  	s3 =	simm.s32 $0x1;
	_ =	strace @p4 $0x90000052;
	s0 =	sand.u32 @p5 $0x1, s14  }
0x9c: {  	s1 =	simm.s32 @!p1 $0x0;
	_ =	strace @p5 $0x80000053;
	s0 =	sadd.s32 @p5 $0x9, s0  }
0x9d: {  	s2 =	simm.s32 @!p3 $0x0;
	s3 =	simm.s32 @!p4 $0x0;
	_ =	swait.ge @p5 [sflag:s0], $0x3000  }
0x9e: {  	s16 =	sadd.s32 s3, s16;
	s3 =	simm.s32 $0x1;
	[sflag:s0] =	ssyncset.done @p5 $0x0  }
0x9f: {  	s3 =	simm.s32 @!p0 $0x0;
	p0 =	sne.s32 s25, $0x20;
	[sflag:s0] =	ssyncadd.s32 @p5 $0xFFFFD000  }
.Ltmp2:
0xa0: {  	s18 =	sadd.s32 s1, s18;
	_ =	strace @p5 $0x90000053;
	(pc) =	sbr.rel @p0 .LBB2_2-.Ltmp2, $4  }
0xa1: {  	s17 =	sadd.s32 s2, s17;
	s21 =	sadd.s32 s2, s21;
	s2 =	rddreg [dreg:$0xa]  }
0xa2: {  	s23 =	sadd.s32 s1, s23;
	s0 =	simm.s32 $0x1;
	s12 =	rddreg [dreg:$0xb]  }
0xa3: {  	s19 =	sadd.s32 s3, s19;
	s0 =	simm.s32 @!p5 $0x0;
	s13 =	rddreg [dreg:$0xc]  }
0xa4: {  	s14 =	sadd.s32 s0, s14;
	s0 =	smov.u32 s26;
	s15 =	rddreg [dreg:$0xd]  }
0xa5: {  	s0 =	sand.u32 $0x1, s16  }
0xa6: {  	_ =	strace $0x80000054;
	s0 =	sadd.s32 $0x7, s0  }
0xa7: {  	_ =	swait.ge [sflag:s0], $0x3000  }
0xa8: {  	s1 =	sand.u32 $0x1, s14;
	[sflag:s0] =	ssyncset.done $0x0  }
0xa9: {  	s29 =	sadd.s32 $0x9, s1;
	[sflag:s0] =	ssyncadd.s32 $0xFFFFD000  }
0xaa: {  	_ =	swait.ge [sflag:s29], $0x3000  }
0xab: {  	s30 =	rddreg [dreg:$0x9]  }
0xac: {  	s31 =	rddreg [dreg:$0x8];
	s1 =	sadd.s32 $0x1, s30  }
0xad: {  	p0 =	sne.s32 s1, s31  }
.Ltmp3:
0xae: {  	_ = 	snop;
	(pc) =	sbr.rel @p0 .LBB2_1-.Ltmp3, $4  }
0xaf: {  	_ = 	snop  }
0xb0: {  	[sflag:s29] =	ssyncset.done $0x0  }
0xb1: {  	[sflag:s29] =	ssyncadd.s32 $0xFFFFD000  }
0xb2: {  	_ =	strace $0x90000054  }
0xb3: {  	_ =	sfence.sel $0x180000  }
0xb4: {  	[bflag:$0x0] =	sbarrier.arrive $0xFFFF  }
0xb5: {  	_ =	strace $0x90000047  }
0xb6: {  	s0 =	stileid.u32;
	[bflag:$0x2] =	sbarrier.arrive $0xFFFF  }
0xb7: {  	p0 =	sne.s32 s0, $0x0;
	s0 =	rddreg [dreg:$0x3]  }
0xb8: {  	s0 =	sadd.s32 @!p0 $0x100000, s0  }
0xb9: {  	[sflag:s0] =	ssyncadd.tile.s32 @!p0 $0x1;
	_ =	shalt  }
.Lfunc_end2:
_tile_overlayer_lowered:
.L_overlay_start_2:
0xba: {  	(tag) =	ssettag $0x2  }
0xbb: {  	s0 =	rddreg [dreg:$0x0];
	s2 =	stileid.u32  }
0xbc: {  	s1 =	rddreg [dreg:$0x1];
	p0 =	sne.s32 s2, $0x0  }
0xbd: {  	s3 =	rddreg [dreg:$0x2];
	[bflag:$0x3] =	sbarrier.arrive $0xFFFF;
	s2 =	simm.s32 @!p0 $0x1C01  }
0xbe: {  	[timem:s3], [sflag:s2] =	dma.local @!p0 [hbm:s0], s1  }
0xbf: {  	s0 =	simm.s32 @!p0 $0x1  }
0xc0: {  	_ =	swait.ge @!p0 [sflag:s0], s1  }
0xc1: {  	s1 =	ssub.s32 @!p0 $0x0, s1;
	[sflag:s0] =	ssyncset.done @!p0 $0x0  }
0xc2: {  	[sflag:s0] =	ssyncadd.s32 @!p0 s1  }
0xc3: {  	[bflag:$0x3] =	sbarrier.arrive $0xFFFF  }
0xc4: {  	_ =	shalt  }

</sc_bundles>
